<compile_context>
chip_gen: v7x
topology: tpu7x:2x2x1
jax: 0.10.2.dev20260603
libtpu: 0.0.44.dev20260713+nightly
codegen_flags: <defaults>
</compile_context>

<pallas_src>
import dataclasses
import functools

import jax
import jax.numpy as jnp
from jax import lax
from jax.experimental import pallas as pl
from jax.experimental.pallas import tpu as pltpu
from jax.experimental.pallas import tpu_sc as plsc

N_NODES = 10000
N_PAD = 10112
N_DEG = 10240
N_EDGES = 320000
D = 128

NUM_CORES = 2
NUM_SUBCORES = 16
NUM_TILES = NUM_CORES * NUM_SUBCORES
EDGES_PER_SUBCORE = N_EDGES // NUM_SUBCORES
EDGES_PER_TILE = N_EDGES // NUM_TILES
BATCH = 80
CHUNKS = EDGES_PER_TILE // BATCH
ROWS_PER_SUBCORE = N_PAD // NUM_SUBCORES
LANES = 16

_MESH = plsc.VectorSubcoreMesh(core_axis_name="c", subcore_axis_name="s")

_SC_PARAMS = pltpu.CompilerParams()
if "needs_layout_passes" in pltpu.CompilerParams.__dataclass_fields__:
    _SC_PARAMS = dataclasses.replace(_SC_PARAMS, needs_layout_passes=False)


@functools.partial(
    pl.kernel,
    out_type=jax.ShapeDtypeStruct((NUM_CORES, N_DEG // D, D), jnp.float32),
    mesh=_MESH,
    scratch_types=[
        pltpu.VMEM((EDGES_PER_SUBCORE,), jnp.int32),
        pltpu.VMEM((N_DEG // D, D), jnp.float32),
        pltpu.VMEM((1, N_DEG // D), jnp.int32),
        pltpu.VMEM_SHARED((N_DEG // D, D), jnp.float32),
    ],
    compiler_params=_SC_PARAMS,
)
def _degree_kernel(dst_hbm, ident_hbm, out_hbm, idx_v, deg_v, ident_v,
                   deg_shared):
    c = lax.axis_index("c")
    s = lax.axis_index("s")

    @pl.loop(0, N_DEG // D)
    def _(rr):
        @pl.loop(0, D // LANES)
        def _(cc):
            deg_v[rr, pl.ds(cc * LANES, LANES)] = jnp.zeros(
                (LANES,), jnp.float32)

    @pl.when(s < 5)
    def _():
        pltpu.sync_copy(deg_v.at[pl.ds(s * 16, 16)],
                        deg_shared.at[pl.ds(s * 16, 16)])

    pltpu.sync_copy(ident_hbm, ident_v)
    pltpu.sync_copy(dst_hbm.at[2 * s, 0],
                    idx_v.at[pl.ds(0, EDGES_PER_TILE)])
    pltpu.sync_copy(dst_hbm.at[2 * s + 1, 0],
                    idx_v.at[pl.ds(EDGES_PER_TILE, EDGES_PER_TILE)])
    ones = jnp.full((LANES,), 1.0, jnp.float32)

    @pl.loop(0, EDGES_PER_SUBCORE // LANES)
    def _(i):
        idx = idx_v[pl.ds(i * LANES, LANES)]
        plsc.addupdate_scatter(deg_v, [idx >> 7, idx & 127], ones)

    plsc.subcore_barrier()

    pltpu.sync_copy(deg_v, deg_shared.at[ident_v.at[0]], add=True)

    plsc.subcore_barrier()

    @pl.when(s < 5)
    def _():
        pltpu.sync_copy(deg_shared.at[pl.ds(s * 16, 16)],
                        out_hbm.at[c, pl.ds(s * 16, 16)])


@functools.partial(
    pl.kernel,
    out_type=jax.ShapeDtypeStruct((NUM_CORES, N_PAD, D), jnp.float32),
    mesh=_MESH,
    scratch_types=[
        pltpu.VMEM((EDGES_PER_TILE,), jnp.int32),
        pltpu.VMEM((EDGES_PER_TILE,), jnp.int32),
        pltpu.VMEM((BATCH, D), jnp.float32),
        pltpu.VMEM((BATCH, D), jnp.float32),
        pltpu.VMEM_SHARED((N_PAD, D), jnp.float32),
        pltpu.SemaphoreType.DMA,
        pltpu.SemaphoreType.DMA,
    ],
    compiler_params=_SC_PARAMS,
)
def _aggregate_kernel(g_hbm, src_hbm, dst_hbm, out_hbm,
                      src_v, dst_v, rows0_v, rows1_v, acc_shared,
                      sg0, sg1):
    c = lax.axis_index("c")
    s = lax.axis_index("s")
    wid = c * NUM_SUBCORES + s
    row0 = s * ROWS_PER_SUBCORE

    pltpu.sync_copy(g_hbm.at[pl.ds(row0, ROWS_PER_SUBCORE)],
                    acc_shared.at[pl.ds(row0, ROWS_PER_SUBCORE)])
    pltpu.sync_copy(src_hbm.at[wid, 0], src_v)
    pltpu.sync_copy(dst_hbm.at[wid, 0], dst_v)
    plsc.subcore_barrier()

    def gather(j, rows, sem):
        pltpu.async_copy(g_hbm.at[src_v.at[pl.ds(j * BATCH, BATCH)]],
                         rows, sem)

    def gather_wait(j, rows, sem):
        pltpu.make_async_copy(
            g_hbm.at[src_v.at[pl.ds(j * BATCH, BATCH)]], rows, sem).wait()

    def scatter(j, rows):
        pltpu.sync_copy(
            rows, acc_shared.at[dst_v.at[pl.ds(j * BATCH, BATCH)]],
            add=True)

    gather(0, rows0_v, sg0)

    @pl.loop(0, (CHUNKS - 1) // 2)
    def _(i):
        j = 2 * i
        gather(j + 1, rows1_v, sg1)
        gather_wait(j, rows0_v, sg0)
        scatter(j, rows0_v)
        gather(j + 2, rows0_v, sg0)
        gather_wait(j + 1, rows1_v, sg1)
        scatter(j + 1, rows1_v)

    gather_wait(CHUNKS - 1, rows0_v, sg0)
    scatter(CHUNKS - 1, rows0_v)

    plsc.subcore_barrier()
    pltpu.sync_copy(acc_shared.at[pl.ds(row0, ROWS_PER_SUBCORE)],
                    out_hbm.at[c, pl.ds(row0, ROWS_PER_SUBCORE)])


_BLOCK = 2000


def _linear_scale_body(deg_ref, x_ref, w_ref, b_ref, g_ref, r_ref):
    h = lax.dot_general(
        x_ref[...], w_ref[...], (((1,), (1,)), ((), ())),
        preferred_element_type=jnp.float32) + b_ref[...]
    r = lax.rsqrt(deg_ref[...] + 1.0)
    r_ref[...] = r
    g_ref[...] = h * r


def _linear_scale(deg_col, x, w, b2d):
    return pl.pallas_call(
        _linear_scale_body,
        grid=(N_NODES // _BLOCK,),
        in_specs=[
            pl.BlockSpec((_BLOCK, 1), lambda i: (i, 0)),
            pl.BlockSpec((_BLOCK, D), lambda i: (i, 0)),
            pl.BlockSpec((D, D), lambda i: (0, 0)),
            pl.BlockSpec((1, D), lambda i: (0, 0)),
        ],
        out_specs=[
            pl.BlockSpec((_BLOCK, D), lambda i: (i, 0)),
            pl.BlockSpec((_BLOCK, 1), lambda i: (i, 0)),
        ],
        out_shape=[
            jax.ShapeDtypeStruct((N_PAD, D), jnp.float32),
            jax.ShapeDtypeStruct((N_NODES, 1), jnp.float32),
        ],
    )(deg_col, x, w, b2d)


def _combine_body(p_ref, g_ref, r_ref, o_ref):
    o_ref[...] = (p_ref[0] + p_ref[1] - g_ref[...]) * r_ref[...]


def _combine(partials, g, r):
    return pl.pallas_call(
        _combine_body,
        grid=(N_NODES // _BLOCK,),
        in_specs=[
            pl.BlockSpec((NUM_CORES, _BLOCK, D), lambda i: (0, i, 0)),
            pl.BlockSpec((_BLOCK, D), lambda i: (i, 0)),
            pl.BlockSpec((_BLOCK, 1), lambda i: (i, 0)),
        ],
        out_specs=pl.BlockSpec((_BLOCK, D), lambda i: (i, 0)),
        out_shape=jax.ShapeDtypeStruct((N_NODES, D), jnp.float32),
    )(partials, g, r)


def kernel(x, edge_index, W, b):
    edges = edge_index.astype(jnp.int32)
    src_tiles = edges[0].reshape(NUM_TILES, 1, EDGES_PER_TILE)
    dst_tiles = edges[1].reshape(NUM_TILES, 1, EDGES_PER_TILE)
    ident = jnp.arange(N_DEG // D, dtype=jnp.int32).reshape(1, N_DEG // D)

    deg2 = _degree_kernel(dst_tiles, ident)
    deg_col = deg2[0].reshape(N_DEG)[:N_NODES, None]
    g, r = _linear_scale(deg_col, x, W, b.reshape(1, D))
    partials = _aggregate_kernel(g, src_tiles, dst_tiles)
    return _combine(partials, g, r)

# --- scband reference (transcript-rebuilt; emitter-appended) ---
"""Pipeline reference for scband-gcnlayer-352187319192 (READ-ONLY COPY).

The authoritative reference and input builder live on the scoring server;
editing this copy changes nothing except your own understanding.
"""

import jax, jax.numpy as jnp
import numpy as np

N_NODES = 10000
N_EDGES = 320000
D_IN = 128
D_OUT = 128

def setup_inputs(seed: int = 0) -> dict:
    key = jax.random.key(seed)
    k1, k2, k3, k4 = jax.random.split(key, 4)
    x = jax.random.normal(k1, (N_NODES, D_IN), dtype=jnp.float32)
    edge_index = jax.random.randint(k2, (2, N_EDGES), 0, N_NODES, dtype=jnp.int64)
    # nn.Linear(in_ch, out_ch) parameters
    bound = 1.0 / np.sqrt(D_IN)
    W = jax.random.uniform(k3, (D_OUT, D_IN), dtype=jnp.float32, minval=-bound, maxval=bound)
    b = jax.random.uniform(k4, (D_OUT,), dtype=jnp.float32, minval=-bound, maxval=bound)
    return {"x": x, "edge_index": edge_index, "W": W, "b": b}

def reference(x, edge_index, W, b):
    n = x.shape[0]
    src = edge_index[0]
    dst = edge_index[1]
    loop = jnp.arange(n, dtype=edge_index.dtype)
    src_all = jnp.concatenate([src, loop])
    dst_all = jnp.concatenate([dst, loop])
    # degree via scatter-add of ones onto dst
    deg = jnp.zeros((n,), dtype=jnp.float32).at[dst_all].add(jnp.ones((dst_all.shape[0],), dtype=jnp.float32))
    norm = (deg[src_all] * deg[dst_all]) ** -0.5
    norm = jnp.where(jnp.isinf(norm), 0.0, norm)
    h = x @ W.T + b
    msg = h[src_all] * norm[:, None]
    out = jnp.zeros((n, h.shape[1]), dtype=jnp.float32).at[dst_all].add(msg)
    return out

if __name__ == "__main__":
    import jax
    _d = setup_inputs()
    print(jax.jit(kernel)(*tuple(_d.values())))

</pallas_src>

<mosaic_0001>
#map = affine_map<(d0, d1) -> (0, 0, 0)>
#map1 = affine_map<(d0, d1) -> (0, 0)>
module attributes {stable_mosaic.version = 14 : i64} {
  func.func @_degree_kernel(%arg0: i32, %arg1: i32, %arg2: memref<32x1x10000xi32, #tpu.memory_space<hbm>>, %arg3: memref<1x80xi32, #tpu.memory_space<hbm>>, %arg4: memref<2x80x128xf32, #tpu.memory_space<hbm>>, %arg5: memref<20000xi32, #tpu.memory_space<vmem>>, %arg6: memref<80x128xf32, #tpu.memory_space<vmem>>, %arg7: memref<1x80xi32, #tpu.memory_space<vmem>>, %arg8: memref<80x128xf32, #tpu.memory_space<vmem_shared>>) attributes {dimension_semantics = [#tpu.dimension_semantics<core_parallel>, #tpu.dimension_semantics<subcore_parallel>], iteration_bounds = array<i64: 2, 16>, scalar_prefetch = 0 : i64, scratch_operands = 4 : i64, tpu.core_type = #tpu.core_type<sc_vector_subcore>, window_params = [{transform_indices = #map}, {transform_indices = #map1}, {transform_indices = #map}]} {
    %scan3A = arith.constant 0 : i32
    %scan3A_0 = arith.constant 80 : i32
    %scan3A_1 = arith.addi %scan3A, %scan3A_0 : i32
    %scan3A_2 = arith.constant 1 : i32
    scf.for %scan3A_24 = %scan3A to %scan3A_1 step %scan3A_2  : i32 {
      %mul3A_25 = arith.constant 1 : i32
      %mul3A_26 = arith.muli %scan3A_24, %mul3A_25 : i32
      %add3A_27 = arith.constant 0 : i32
      %add3A_28 = arith.addi %add3A_27, %mul3A_26 : i32
      %scan3A_29 = arith.constant 0 : i32
      %scan3A_30 = arith.constant 8 : i32
      %scan3A_31 = arith.addi %scan3A_29, %scan3A_30 : i32
      %scan3A_32 = arith.constant 1 : i32
      scf.for %scan3A_34 = %scan3A_29 to %scan3A_31 step %scan3A_32  : i32 {
        %mul3A_35 = arith.constant 1 : i32
        %mul3A_36 = arith.muli %scan3A_34, %mul3A_35 : i32
        %add3A_37 = arith.constant 0 : i32
        %add3A_38 = arith.addi %add3A_37, %mul3A_36 : i32
        %broadcast_in_dim3A_39 = arith.constant 0.000000e+00 : f32
        %broadcast_in_dim3A_40 = vector.broadcast %broadcast_in_dim3A_39 : f32 to vector<16xf32>
        %mul3A_41 = arith.constant 16 : i32
        %mul3A_42 = arith.muli %add3A_38, %mul3A_41 : i32
        %swap3A = arith.index_cast %add3A_28 : i32 to index
        %swap3A_43 = arith.index_cast %mul3A_42 : i32 to index
        %swap3A_44 = tpu.vector_load %arg6[%swap3A, %swap3A_43] {strides = array<i32>} : memref<80x128xf32, #tpu.memory_space<vmem>>, vector<16xf32>,
        tpu.vector_store %arg6[%swap3A, %swap3A_43], %broadcast_in_dim3A_40 {strides = array<i32>} : memref<80x128xf32, #tpu.memory_space<vmem>>, vector<16xf32>,
      }
      %scan3A_33 = arith.constant 8 : i32
    }
    %scan3A_3 = arith.constant 80 : i32
    %lt3A = arith.constant 5 : i32
    %lt3A_4 = arith.cmpi slt, %arg1, %lt3A : i32
    %convert_element_type3A = arith.extui %lt3A_4 : i1 to i32
    %cond3A = arith.constant 0 : i32
    %cond3A_5 = arith.cmpi ne, %convert_element_type3A, %cond3A : i32
    scf.if %cond3A_5 {
      %mul3A_24 = arith.constant 16 : i32
      %mul3A_25 = arith.muli %arg1, %mul3A_24 : i32
      %mul3A_26 = arith.constant 16 : i32
      %mul3A_27 = arith.muli %arg1, %mul3A_26 : i32
      "tpu.region"() ({
        %run_scoped3A_28 = tpu.sem_alloc : memref<!tpu.dma_semaphore, #tpu.memory_space<semaphore_mem>>
        %dma_start3A = arith.constant 0 : i32
        %dma_start3A_29 = tpu.memref_slice %arg6[%mul3A_25, %dma_start3A] : memref<80x128xf32, #tpu.memory_space<vmem>> -> memref<16x128xf32, #tpu.memory_space<vmem>>
        %dma_start3A_30 = arith.constant 0 : i32
        %dma_start3A_31 = tpu.memref_slice %arg8[%mul3A_27, %dma_start3A_30] : memref<80x128xf32, #tpu.memory_space<vmem_shared>> -> memref<16x128xf32, #tpu.memory_space<vmem_shared>>
        %dma_start3A_32 = arith.constant 0 : i32
        %dma_start3A_33 = tpu.memref_slice %arg8[%mul3A_27, %dma_start3A_32] : memref<80x128xf32, #tpu.memory_space<vmem_shared>> -> memref<16x128xf32, #tpu.memory_space<vmem_shared>>
        %dma_start3A_34 = arith.constant 0 : i32
        %dma_start3A_35 = tpu.memref_slice %arg6[%mul3A_25, %dma_start3A_34] : memref<80x128xf32, #tpu.memory_space<vmem>> -> memref<16x128xf32, #tpu.memory_space<vmem>>
        tpu.enqueue_dma source(%dma_start3A_35 : memref<16x128xf32, #tpu.memory_space<vmem>>) target(%dma_start3A_33 : memref<16x128xf32, #tpu.memory_space<vmem_shared>>) target_semaphore(%run_scoped3A_28 : memref<!tpu.dma_semaphore, #tpu.memory_space<semaphore_mem>>)
        %dma_wait3A = arith.constant 0 : i32
        %dma_wait3A_36 = tpu.memref_slice %arg6[%mul3A_25, %dma_wait3A] : memref<80x128xf32, #tpu.memory_space<vmem>> -> memref<16x128xf32, #tpu.memory_space<vmem>>
        %dma_wait3A_37 = arith.constant 0 : i32
        %dma_wait3A_38 = tpu.memref_slice %arg8[%mul3A_27, %dma_wait3A_37] : memref<80x128xf32, #tpu.memory_space<vmem_shared>> -> memref<16x128xf32, #tpu.memory_space<vmem_shared>>
        %dma_wait3A_39 = arith.constant 0 : i32
        %dma_wait3A_40 = tpu.memref_slice %arg8[%mul3A_27, %dma_wait3A_39] : memref<80x128xf32, #tpu.memory_space<vmem_shared>> -> memref<16x128xf32, #tpu.memory_space<vmem_shared>>
        %dma_wait3A_41 = arith.constant 0 : i32
        %dma_wait3A_42 = tpu.memref_slice %arg6[%mul3A_25, %dma_wait3A_41] : memref<80x128xf32, #tpu.memory_space<vmem>> -> memref<16x128xf32, #tpu.memory_space<vmem>>
        tpu.wait_dma2 semaphore(%run_scoped3A_28 : memref<!tpu.dma_semaphore, #tpu.memory_space<semaphore_mem>>) src(%dma_wait3A_42 : memref<16x128xf32, #tpu.memory_space<vmem>>) dst(%dma_wait3A_40 : memref<16x128xf32, #tpu.memory_space<vmem_shared>>)
        tpu.yield
      }) : () -> ()
    } else {
    }
    "tpu.region"() ({
      %run_scoped3A_24 = tpu.sem_alloc : memref<!tpu.dma_semaphore, #tpu.memory_space<semaphore_mem>>
      tpu.enqueue_dma source(%arg3 : memref<1x80xi32, #tpu.memory_space<hbm>>) target(%arg7 : memref<1x80xi32, #tpu.memory_space<vmem>>) target_semaphore(%run_scoped3A_24 : memref<!tpu.dma_semaphore, #tpu.memory_space<semaphore_mem>>)
      tpu.wait_dma2 semaphore(%run_scoped3A_24 : memref<!tpu.dma_semaphore, #tpu.memory_space<semaphore_mem>>) src(%arg3 : memref<1x80xi32, #tpu.memory_space<hbm>>) dst(%arg7 : memref<1x80xi32, #tpu.memory_space<vmem>>)
      tpu.yield
    }) : () -> ()
    %mul3A = arith.constant 2 : i32
    %mul3A_6 = arith.muli %mul3A, %arg1 : i32
    %run_scoped3A = arith.constant 0 : i32
    "tpu.region"() ({
      %run_scoped3A_24 = tpu.sem_alloc : memref<!tpu.dma_semaphore, #tpu.memory_space<semaphore_mem>>
      %dma_start3A = arith.constant 0 : i32
      %dma_start3A_25 = tpu.memref_slice %arg5[%dma_start3A] : memref<20000xi32, #tpu.memory_space<vmem>> -> memref<10000xi32, #tpu.memory_space<vmem>>
      %dma_start3A_26 = arith.constant 0 : i32
      %dma_start3A_27 = tpu.memref_slice %arg2[%mul3A_6, %run_scoped3A, %dma_start3A_26] : memref<32x1x10000xi32, #tpu.memory_space<hbm>> -> memref<1x1x10000xi32, #tpu.memory_space<hbm>>
      %dma_start3A_28 = tpu.memref_squeeze %dma_start3A_27 : memref<1x1x10000xi32, #tpu.memory_space<hbm>> -> memref<10000xi32, #tpu.memory_space<hbm>>
      %dma_start3A_29 = arith.constant 0 : i32
      %dma_start3A_30 = tpu.memref_slice %arg5[%dma_start3A_29] : memref<20000xi32, #tpu.memory_space<vmem>> -> memref<10000xi32, #tpu.memory_space<vmem>>
      %dma_start3A_31 = arith.constant 0 : i32
      %dma_start3A_32 = tpu.memref_slice %arg2[%mul3A_6, %run_scoped3A, %dma_start3A_31] : memref<32x1x10000xi32, #tpu.memory_space<hbm>> -> memref<1x1x10000xi32, #tpu.memory_space<hbm>>
      %dma_start3A_33 = tpu.memref_squeeze %dma_start3A_32 : memref<1x1x10000xi32, #tpu.memory_space<hbm>> -> memref<10000xi32, #tpu.memory_space<hbm>>
      tpu.enqueue_dma source(%dma_start3A_33 : memref<10000xi32, #tpu.memory_space<hbm>>) target(%dma_start3A_30 : memref<10000xi32, #tpu.memory_space<vmem>>) target_semaphore(%run_scoped3A_24 : memref<!tpu.dma_semaphore, #tpu.memory_space<semaphore_mem>>)
      %dma_wait3A = arith.constant 0 : i32
      %dma_wait3A_34 = tpu.memref_slice %arg5[%dma_wait3A] : memref<20000xi32, #tpu.memory_space<vmem>> -> memref<10000xi32, #tpu.memory_space<vmem>>
      %dma_wait3A_35 = arith.constant 0 : i32
      %dma_wait3A_36 = tpu.memref_slice %arg2[%mul3A_6, %run_scoped3A, %dma_wait3A_35] : memref<32x1x10000xi32, #tpu.memory_space<hbm>> -> memref<1x1x10000xi32, #tpu.memory_space<hbm>>
      %dma_wait3A_37 = tpu.memref_squeeze %dma_wait3A_36 : memref<1x1x10000xi32, #tpu.memory_space<hbm>> -> memref<10000xi32, #tpu.memory_space<hbm>>
      %dma_wait3A_38 = arith.constant 0 : i32
      %dma_wait3A_39 = tpu.memref_slice %arg5[%dma_wait3A_38] : memref<20000xi32, #tpu.memory_space<vmem>> -> memref<10000xi32, #tpu.memory_space<vmem>>
      %dma_wait3A_40 = arith.constant 0 : i32
      %dma_wait3A_41 = tpu.memref_slice %arg2[%mul3A_6, %run_scoped3A, %dma_wait3A_40] : memref<32x1x10000xi32, #tpu.memory_space<hbm>> -> memref<1x1x10000xi32, #tpu.memory_space<hbm>>
      %dma_wait3A_42 = tpu.memref_squeeze %dma_wait3A_41 : memref<1x1x10000xi32, #tpu.memory_space<hbm>> -> memref<10000xi32, #tpu.memory_space<hbm>>
      tpu.wait_dma2 semaphore(%run_scoped3A_24 : memref<!tpu.dma_semaphore, #tpu.memory_space<semaphore_mem>>) src(%dma_wait3A_42 : memref<10000xi32, #tpu.memory_space<hbm>>) dst(%dma_wait3A_39 : memref<10000xi32, #tpu.memory_space<vmem>>)
      tpu.yield
    }) : () -> ()
    %mul3A_7 = arith.constant 2 : i32
    %mul3A_8 = arith.muli %mul3A_7, %arg1 : i32
    %add3A = arith.constant 1 : i32
    %add3A_9 = arith.addi %mul3A_8, %add3A : i32
    %run_scoped3A_10 = arith.constant 0 : i32
    "tpu.region"() ({
      %run_scoped3A_24 = tpu.sem_alloc : memref<!tpu.dma_semaphore, #tpu.memory_space<semaphore_mem>>
      %dma_start3A = arith.constant 10000 : i32
      %dma_start3A_25 = tpu.memref_slice %arg5[%dma_start3A] : memref<20000xi32, #tpu.memory_space<vmem>> -> memref<10000xi32, #tpu.memory_space<vmem>>
      %dma_start3A_26 = arith.constant 0 : i32
      %dma_start3A_27 = tpu.memref_slice %arg2[%add3A_9, %run_scoped3A_10, %dma_start3A_26] : memref<32x1x10000xi32, #tpu.memory_space<hbm>> -> memref<1x1x10000xi32, #tpu.memory_space<hbm>>
      %dma_start3A_28 = tpu.memref_squeeze %dma_start3A_27 : memref<1x1x10000xi32, #tpu.memory_space<hbm>> -> memref<10000xi32, #tpu.memory_space<hbm>>
      %dma_start3A_29 = arith.constant 10000 : i32
      %dma_start3A_30 = tpu.memref_slice %arg5[%dma_start3A_29] : memref<20000xi32, #tpu.memory_space<vmem>> -> memref<10000xi32, #tpu.memory_space<vmem>>
      %dma_start3A_31 = arith.constant 0 : i32
      %dma_start3A_32 = tpu.memref_slice %arg2[%add3A_9, %run_scoped3A_10, %dma_start3A_31] : memref<32x1x10000xi32, #tpu.memory_space<hbm>> -> memref<1x1x10000xi32, #tpu.memory_space<hbm>>
      %dma_start3A_33 = tpu.memref_squeeze %dma_start3A_32 : memref<1x1x10000xi32, #tpu.memory_space<hbm>> -> memref<10000xi32, #tpu.memory_space<hbm>>
      tpu.enqueue_dma source(%dma_start3A_33 : memref<10000xi32, #tpu.memory_space<hbm>>) target(%dma_start3A_30 : memref<10000xi32, #tpu.memory_space<vmem>>) target_semaphore(%run_scoped3A_24 : memref<!tpu.dma_semaphore, #tpu.memory_space<semaphore_mem>>)
      %dma_wait3A = arith.constant 10000 : i32
      %dma_wait3A_34 = tpu.memref_slice %arg5[%dma_wait3A] : memref<20000xi32, #tpu.memory_space<vmem>> -> memref<10000xi32, #tpu.memory_space<vmem>>
      %dma_wait3A_35 = arith.constant 0 : i32
      %dma_wait3A_36 = tpu.memref_slice %arg2[%add3A_9, %run_scoped3A_10, %dma_wait3A_35] : memref<32x1x10000xi32, #tpu.memory_space<hbm>> -> memref<1x1x10000xi32, #tpu.memory_space<hbm>>
      %dma_wait3A_37 = tpu.memref_squeeze %dma_wait3A_36 : memref<1x1x10000xi32, #tpu.memory_space<hbm>> -> memref<10000xi32, #tpu.memory_space<hbm>>
      %dma_wait3A_38 = arith.constant 10000 : i32
      %dma_wait3A_39 = tpu.memref_slice %arg5[%dma_wait3A_38] : memref<20000xi32, #tpu.memory_space<vmem>> -> memref<10000xi32, #tpu.memory_space<vmem>>
      %dma_wait3A_40 = arith.constant 0 : i32
      %dma_wait3A_41 = tpu.memref_slice %arg2[%add3A_9, %run_scoped3A_10, %dma_wait3A_40] : memref<32x1x10000xi32, #tpu.memory_space<hbm>> -> memref<1x1x10000xi32, #tpu.memory_space<hbm>>
      %dma_wait3A_42 = tpu.memref_squeeze %dma_wait3A_41 : memref<1x1x10000xi32, #tpu.memory_space<hbm>> -> memref<10000xi32, #tpu.memory_space<hbm>>
      tpu.wait_dma2 semaphore(%run_scoped3A_24 : memref<!tpu.dma_semaphore, #tpu.memory_space<semaphore_mem>>) src(%dma_wait3A_42 : memref<10000xi32, #tpu.memory_space<hbm>>) dst(%dma_wait3A_39 : memref<10000xi32, #tpu.memory_space<vmem>>)
      tpu.yield
    }) : () -> ()
    %broadcast_in_dim3A = arith.constant 1.000000e+00 : f32
    %broadcast_in_dim3A_11 = vector.broadcast %broadcast_in_dim3A : f32 to vector<16xf32>
    %scan3A_12 = arith.constant 0 : i32
    %scan3A_13 = arith.constant 1250 : i32
    %scan3A_14 = arith.addi %scan3A_12, %scan3A_13 : i32
    %scan3A_15 = arith.constant 1 : i32
    scf.for %scan3A_24 = %scan3A_12 to %scan3A_14 step %scan3A_15  : i32 {
      %mul3A_25 = arith.constant 1 : i32
      %mul3A_26 = arith.muli %scan3A_24, %mul3A_25 : i32
      %add3A_27 = arith.constant 0 : i32
      %add3A_28 = arith.addi %add3A_27, %mul3A_26 : i32
      %mul3A_29 = arith.constant 16 : i32
      %mul3A_30 = arith.muli %add3A_28, %mul3A_29 : i32
      %get3A = arith.index_cast %mul3A_30 : i32 to index
      %get3A_31 = tpu.vector_load %arg5[%get3A] {strides = array<i32>} : memref<20000xi32, #tpu.memory_space<vmem>>, vector<16xi32>,
      %shift_right_arithmetic3A = arith.constant 7 : i32
      %shift_right_arithmetic3A_32 = vector.broadcast %shift_right_arithmetic3A : i32 to vector<16xi32>
      %shift_right_arithmetic3A_33 = arith.shrsi %get3A_31, %shift_right_arithmetic3A_32 : vector<16xi32>
      %and3A = arith.constant 127 : i32
      %and3A_34 = vector.broadcast %and3A : i32 to vector<16xi32>
      %and3A_35 = arith.andi %get3A_31, %and3A_34 : vector<16xi32>
      tpu.vector_store_idx %arg6[%shift_right_arithmetic3A_33, %and3A_35], %broadcast_in_dim3A_11 {add = true} : memref<80x128xf32, #tpu.memory_space<vmem>>[vector<16xi32>, vector<16xi32>], vector<16xf32>,
    }
    %scan3A_16 = arith.constant 1250 : i32
    %barrier3A = arith.constant 0 : index
    tpu.barrier barrier_id(%barrier3A)
    %run_scoped3A_17 = arith.constant 0 : i32
    "tpu.region"() ({
      %run_scoped3A_24 = tpu.sem_alloc : memref<!tpu.dma_semaphore, #tpu.memory_space<semaphore_mem>>
      %dma_start3A = arith.constant 0 : i32
      %dma_start3A_25 = tpu.memref_slice %arg7[%run_scoped3A_17, %dma_start3A] : memref<1x80xi32, #tpu.memory_space<vmem>> -> memref<1x80xi32, #tpu.memory_space<vmem>>
      %dma_start3A_26 = tpu.memref_squeeze %dma_start3A_25 : memref<1x80xi32, #tpu.memory_space<vmem>> -> memref<80xi32, #tpu.memory_space<vmem>>
      %dma_start3A_27 = arith.constant 0 : i32
      %dma_start3A_28 = arith.constant 0 : i32
      %dma_start3A_29 = tpu.memref_slice %arg8[%dma_start3A_27, %dma_start3A_28] : memref<80x128xf32, #tpu.memory_space<vmem_shared>> -> memref<80x128xf32, #tpu.memory_space<vmem_shared>>
      tpu.enqueue_indirect_dma source(%arg6 : memref<80x128xf32, #tpu.memory_space<vmem>>) target(%dma_start3A_29 : memref<80x128xf32, #tpu.memory_space<vmem_shared>>) offsets(%dma_start3A_26 : memref<80xi32, #tpu.memory_space<vmem>>) semaphore(%run_scoped3A_24 : memref<!tpu.dma_semaphore, #tpu.memory_space<semaphore_mem>>) {add = true}
      %dma_wait3A = arith.constant 0 : i32
      %dma_wait3A_30 = tpu.memref_slice %arg7[%run_scoped3A_17, %dma_wait3A] : memref<1x80xi32, #tpu.memory_space<vmem>> -> memref<1x80xi32, #tpu.memory_space<vmem>>
      %dma_wait3A_31 = tpu.memref_squeeze %dma_wait3A_30 : memref<1x80xi32, #tpu.memory_space<vmem>> -> memref<80xi32, #tpu.memory_space<vmem>>
      %dma_wait3A_32 = arith.constant 0 : i32
      %dma_wait3A_33 = arith.constant 0 : i32
      %dma_wait3A_34 = tpu.memref_slice %arg8[%dma_wait3A_32, %dma_wait3A_33] : memref<80x128xf32, #tpu.memory_space<vmem_shared>> -> memref<80x128xf32, #tpu.memory_space<vmem_shared>>
      tpu.wait_indirect_dma semaphore(%run_scoped3A_24 : memref<!tpu.dma_semaphore, #tpu.memory_space<semaphore_mem>>) src(%arg6 : memref<80x128xf32, #tpu.memory_space<vmem>>) dst(%dma_wait3A_34 : memref<80x128xf32, #tpu.memory_space<vmem_shared>>)
      tpu.yield
    }) : () -> ()
    %barrier3A_18 = arith.constant 0 : index
    tpu.barrier barrier_id(%barrier3A_18)
    %lt3A_19 = arith.constant 5 : i32
    %lt3A_20 = arith.cmpi slt, %arg1, %lt3A_19 : i32
    %convert_element_type3A_21 = arith.extui %lt3A_20 : i1 to i32
    %cond3A_22 = arith.constant 0 : i32
    %cond3A_23 = arith.cmpi ne, %convert_element_type3A_21, %cond3A_22 : i32
    scf.if %cond3A_23 {
      %mul3A_24 = arith.constant 16 : i32
      %mul3A_25 = arith.muli %arg1, %mul3A_24 : i32
      %mul3A_26 = arith.constant 16 : i32
      %mul3A_27 = arith.muli %arg1, %mul3A_26 : i32
      "tpu.region"() ({
        %run_scoped3A_28 = tpu.sem_alloc : memref<!tpu.dma_semaphore, #tpu.memory_space<semaphore_mem>>
        %dma_start3A = arith.constant 0 : i32
        %dma_start3A_29 = tpu.memref_slice %arg4[%arg0, %mul3A_27, %dma_start3A] : memref<2x80x128xf32, #tpu.memory_space<hbm>> -> memref<1x16x128xf32, #tpu.memory_space<hbm>>
        %dma_start3A_30 = tpu.memref_squeeze %dma_start3A_29 : memref<1x16x128xf32, #tpu.memory_space<hbm>> -> memref<16x128xf32, #tpu.memory_space<hbm>>
        %dma_start3A_31 = arith.constant 0 : i32
        %dma_start3A_32 = tpu.memref_slice %arg8[%mul3A_25, %dma_start3A_31] : memref<80x128xf32, #tpu.memory_space<vmem_shared>> -> memref<16x128xf32, #tpu.memory_space<vmem_shared>>
        tpu.enqueue_dma source(%dma_start3A_32 : memref<16x128xf32, #tpu.memory_space<vmem_shared>>) target(%dma_start3A_30 : memref<16x128xf32, #tpu.memory_space<hbm>>) target_semaphore(%run_scoped3A_28 : memref<!tpu.dma_semaphore, #tpu.memory_space<semaphore_mem>>)
        %dma_wait3A = arith.constant 0 : i32
        %dma_wait3A_33 = tpu.memref_slice %arg4[%arg0, %mul3A_27, %dma_wait3A] : memref<2x80x128xf32, #tpu.memory_space<hbm>> -> memref<1x16x128xf32, #tpu.memory_space<hbm>>
        %dma_wait3A_34 = tpu.memref_squeeze %dma_wait3A_33 : memref<1x16x128xf32, #tpu.memory_space<hbm>> -> memref<16x128xf32, #tpu.memory_space<hbm>>
        %dma_wait3A_35 = arith.constant 0 : i32
        %dma_wait3A_36 = tpu.memref_slice %arg8[%mul3A_25, %dma_wait3A_35] : memref<80x128xf32, #tpu.memory_space<vmem_shared>> -> memref<16x128xf32, #tpu.memory_space<vmem_shared>>
        tpu.wait_dma2 semaphore(%run_scoped3A_28 : memref<!tpu.dma_semaphore, #tpu.memory_space<semaphore_mem>>) src(%dma_wait3A_36 : memref<16x128xf32, #tpu.memory_space<vmem_shared>>) dst(%dma_wait3A_34 : memref<16x128xf32, #tpu.memory_space<hbm>>)
        tpu.yield
      }) : () -> ()
    } else {
    }
    return
  }
}

#map = affine_map<(d0, d1) -> (0, 0)>
#map1 = affine_map<(d0, d1) -> (0, 0, 0)>
module attributes {stable_mosaic.version = 14 : i64} {
  func.func @_aggregate_kernel(%arg0: i32, %arg1: i32, %arg2: memref<10112x128xf32, #tpu.memory_space<hbm>>, %arg3: memref<32x1x10000xi32, #tpu.memory_space<hbm>>, %arg4: memref<32x1x10000xi32, #tpu.memory_space<hbm>>, %arg5: memref<2x10112x128xf32, #tpu.memory_space<hbm>>, %arg6: memref<10000xi32, #tpu.memory_space<vmem>>, %arg7: memref<10000xi32, #tpu.memory_space<vmem>>, %arg8: memref<80x128xf32, #tpu.memory_space<vmem>>, %arg9: memref<80x128xf32, #tpu.memory_space<vmem>>, %arg10: memref<10112x128xf32, #tpu.memory_space<vmem_shared>>, %arg11: memref<!tpu.dma_semaphore, #tpu.memory_space<semaphore_mem>>, %arg12: memref<!tpu.dma_semaphore, #tpu.memory_space<semaphore_mem>>) attributes {dimension_semantics = [#tpu.dimension_semantics<core_parallel>, #tpu.dimension_semantics<subcore_parallel>], iteration_bounds = array<i64: 2, 16>, scalar_prefetch = 0 : i64, scratch_operands = 7 : i64, tpu.core_type = #tpu.core_type<sc_vector_subcore>, window_params = [{transform_indices = #map}, {transform_indices = #map1}, {transform_indices = #map1}, {transform_indices = #map1}]} {
    %mul3A = arith.constant 16 : i32
    %mul3A_0 = arith.muli %arg0, %mul3A : i32
    %add3A = arith.addi %mul3A_0, %arg1 : i32
    %mul3A_1 = arith.constant 632 : i32
    %mul3A_2 = arith.muli %arg1, %mul3A_1 : i32
    "tpu.region"() ({
      %run_scoped3A_17 = tpu.sem_alloc : memref<!tpu.dma_semaphore, #tpu.memory_space<semaphore_mem>>
      %dma_start3A_18 = arith.constant 0 : i32
      %dma_start3A_19 = tpu.memref_slice %arg10[%mul3A_2, %dma_start3A_18] : memref<10112x128xf32, #tpu.memory_space<vmem_shared>> -> memref<632x128xf32, #tpu.memory_space<vmem_shared>>
      %dma_start3A_20 = arith.constant 0 : i32
      %dma_start3A_21 = tpu.memref_slice %arg2[%mul3A_2, %dma_start3A_20] : memref<10112x128xf32, #tpu.memory_space<hbm>> -> memref<632x128xf32, #tpu.memory_space<hbm>>
      tpu.enqueue_dma source(%dma_start3A_21 : memref<632x128xf32, #tpu.memory_space<hbm>>) target(%dma_start3A_19 : memref<632x128xf32, #tpu.memory_space<vmem_shared>>) target_semaphore(%run_scoped3A_17 : memref<!tpu.dma_semaphore, #tpu.memory_space<semaphore_mem>>)
      %dma_wait3A_22 = arith.constant 0 : i32
      %dma_wait3A_23 = tpu.memref_slice %arg10[%mul3A_2, %dma_wait3A_22] : memref<10112x128xf32, #tpu.memory_space<vmem_shared>> -> memref<632x128xf32, #tpu.memory_space<vmem_shared>>
      %dma_wait3A_24 = arith.constant 0 : i32
      %dma_wait3A_25 = tpu.memref_slice %arg2[%mul3A_2, %dma_wait3A_24] : memref<10112x128xf32, #tpu.memory_space<hbm>> -> memref<632x128xf32, #tpu.memory_space<hbm>>
      tpu.wait_dma2 semaphore(%run_scoped3A_17 : memref<!tpu.dma_semaphore, #tpu.memory_space<semaphore_mem>>) src(%dma_wait3A_25 : memref<632x128xf32, #tpu.memory_space<hbm>>) dst(%dma_wait3A_23 : memref<632x128xf32, #tpu.memory_space<vmem_shared>>)
      tpu.yield
    }) : () -> ()
    %run_scoped3A = arith.constant 0 : i32
    "tpu.region"() ({
      %run_scoped3A_17 = tpu.sem_alloc : memref<!tpu.dma_semaphore, #tpu.memory_space<semaphore_mem>>
      %dma_start3A_18 = arith.constant 0 : i32
      %dma_start3A_19 = tpu.memref_slice %arg3[%add3A, %run_scoped3A, %dma_start3A_18] : memref<32x1x10000xi32, #tpu.memory_space<hbm>> -> memref<1x1x10000xi32, #tpu.memory_space<hbm>>
      %dma_start3A_20 = tpu.memref_squeeze %dma_start3A_19 : memref<1x1x10000xi32, #tpu.memory_space<hbm>> -> memref<10000xi32, #tpu.memory_space<hbm>>
      %dma_start3A_21 = arith.constant 0 : i32
      %dma_start3A_22 = tpu.memref_slice %arg3[%add3A, %run_scoped3A, %dma_start3A_21] : memref<32x1x10000xi32, #tpu.memory_space<hbm>> -> memref<1x1x10000xi32, #tpu.memory_space<hbm>>
      %dma_start3A_23 = tpu.memref_squeeze %dma_start3A_22 : memref<1x1x10000xi32, #tpu.memory_space<hbm>> -> memref<10000xi32, #tpu.memory_space<hbm>>
      tpu.enqueue_dma source(%dma_start3A_23 : memref<10000xi32, #tpu.memory_space<hbm>>) target(%arg6 : memref<10000xi32, #tpu.memory_space<vmem>>) target_semaphore(%run_scoped3A_17 : memref<!tpu.dma_semaphore, #tpu.memory_space<semaphore_mem>>)
      %dma_wait3A_24 = arith.constant 0 : i32
      %dma_wait3A_25 = tpu.memref_slice %arg3[%add3A, %run_scoped3A, %dma_wait3A_24] : memref<32x1x10000xi32, #tpu.memory_space<hbm>> -> memref<1x1x10000xi32, #tpu.memory_space<hbm>>
      %dma_wait3A_26 = tpu.memref_squeeze %dma_wait3A_25 : memref<1x1x10000xi32, #tpu.memory_space<hbm>> -> memref<10000xi32, #tpu.memory_space<hbm>>
      %dma_wait3A_27 = arith.constant 0 : i32
      %dma_wait3A_28 = tpu.memref_slice %arg3[%add3A, %run_scoped3A, %dma_wait3A_27] : memref<32x1x10000xi32, #tpu.memory_space<hbm>> -> memref<1x1x10000xi32, #tpu.memory_space<hbm>>
      %dma_wait3A_29 = tpu.memref_squeeze %dma_wait3A_28 : memref<1x1x10000xi32, #tpu.memory_space<hbm>> -> memref<10000xi32, #tpu.memory_space<hbm>>
      tpu.wait_dma2 semaphore(%run_scoped3A_17 : memref<!tpu.dma_semaphore, #tpu.memory_space<semaphore_mem>>) src(%dma_wait3A_29 : memref<10000xi32, #tpu.memory_space<hbm>>) dst(%arg6 : memref<10000xi32, #tpu.memory_space<vmem>>)
      tpu.yield
    }) : () -> ()
    %run_scoped3A_3 = arith.constant 0 : i32
    "tpu.region"() ({
      %run_scoped3A_17 = tpu.sem_alloc : memref<!tpu.dma_semaphore, #tpu.memory_space<semaphore_mem>>
      %dma_start3A_18 = arith.constant 0 : i32
      %dma_start3A_19 = tpu.memref_slice %arg4[%add3A, %run_scoped3A_3, %dma_start3A_18] : memref<32x1x10000xi32, #tpu.memory_space<hbm>> -> memref<1x1x10000xi32, #tpu.memory_space<hbm>>
      %dma_start3A_20 = tpu.memref_squeeze %dma_start3A_19 : memref<1x1x10000xi32, #tpu.memory_space<hbm>> -> memref<10000xi32, #tpu.memory_space<hbm>>
      %dma_start3A_21 = arith.constant 0 : i32
      %dma_start3A_22 = tpu.memref_slice %arg4[%add3A, %run_scoped3A_3, %dma_start3A_21] : memref<32x1x10000xi32, #tpu.memory_space<hbm>> -> memref<1x1x10000xi32, #tpu.memory_space<hbm>>
      %dma_start3A_23 = tpu.memref_squeeze %dma_start3A_22 : memref<1x1x10000xi32, #tpu.memory_space<hbm>> -> memref<10000xi32, #tpu.memory_space<hbm>>
      tpu.enqueue_dma source(%dma_start3A_23 : memref<10000xi32, #tpu.memory_space<hbm>>) target(%arg7 : memref<10000xi32, #tpu.memory_space<vmem>>) target_semaphore(%run_scoped3A_17 : memref<!tpu.dma_semaphore, #tpu.memory_space<semaphore_mem>>)
      %dma_wait3A_24 = arith.constant 0 : i32
      %dma_wait3A_25 = tpu.memref_slice %arg4[%add3A, %run_scoped3A_3, %dma_wait3A_24] : memref<32x1x10000xi32, #tpu.memory_space<hbm>> -> memref<1x1x10000xi32, #tpu.memory_space<hbm>>
      %dma_wait3A_26 = tpu.memref_squeeze %dma_wait3A_25 : memref<1x1x10000xi32, #tpu.memory_space<hbm>> -> memref<10000xi32, #tpu.memory_space<hbm>>
      %dma_wait3A_27 = arith.constant 0 : i32
      %dma_wait3A_28 = tpu.memref_slice %arg4[%add3A, %run_scoped3A_3, %dma_wait3A_27] : memref<32x1x10000xi32, #tpu.memory_space<hbm>> -> memref<1x1x10000xi32, #tpu.memory_space<hbm>>
      %dma_wait3A_29 = tpu.memref_squeeze %dma_wait3A_28 : memref<1x1x10000xi32, #tpu.memory_space<hbm>> -> memref<10000xi32, #tpu.memory_space<hbm>>
      tpu.wait_dma2 semaphore(%run_scoped3A_17 : memref<!tpu.dma_semaphore, #tpu.memory_space<semaphore_mem>>) src(%dma_wait3A_29 : memref<10000xi32, #tpu.memory_space<hbm>>) dst(%arg7 : memref<10000xi32, #tpu.memory_space<vmem>>)
      tpu.yield
    }) : () -> ()
    %barrier3A = arith.constant 0 : index
    tpu.barrier barrier_id(%barrier3A)
    %dma_start3A = arith.constant 0 : i32
    %dma_start3A_4 = tpu.memref_slice %arg6[%dma_start3A] : memref<10000xi32, #tpu.memory_space<vmem>> -> memref<80xi32, #tpu.memory_space<vmem>>
    %dma_start3A_5 = arith.constant 0 : i32
    %dma_start3A_6 = arith.constant 0 : i32
    %dma_start3A_7 = tpu.memref_slice %arg2[%dma_start3A_5, %dma_start3A_6] : memref<10112x128xf32, #tpu.memory_space<hbm>> -> memref<10112x128xf32, #tpu.memory_space<hbm>>
    tpu.enqueue_indirect_dma source(%dma_start3A_7 : memref<10112x128xf32, #tpu.memory_space<hbm>>) target(%arg8 : memref<80x128xf32, #tpu.memory_space<vmem>>) offsets(%dma_start3A_4 : memref<80xi32, #tpu.memory_space<vmem>>) semaphore(%arg11 : memref<!tpu.dma_semaphore, #tpu.memory_space<semaphore_mem>>)
    %scan3A = arith.constant 0 : i32
    %scan3A_8 = arith.constant 62 : i32
    %scan3A_9 = arith.addi %scan3A, %scan3A_8 : i32
    %scan3A_10 = arith.constant 1 : i32
    scf.for %scan3A_17 = %scan3A to %scan3A_9 step %scan3A_10  : i32 {
      %mul3A_18 = arith.constant 1 : i32
      %mul3A_19 = arith.muli %scan3A_17, %mul3A_18 : i32
      %add3A_20 = arith.constant 0 : i32
      %add3A_21 = arith.addi %add3A_20, %mul3A_19 : i32
      %mul3A_22 = arith.constant 2 : i32
      %mul3A_23 = arith.muli %mul3A_22, %add3A_21 : i32
      %add3A_24 = arith.constant 1 : i32
      %add3A_25 = arith.addi %mul3A_23, %add3A_24 : i32
      %mul3A_26 = arith.constant 80 : i32
      %mul3A_27 = arith.muli %add3A_25, %mul3A_26 : i32
      %dma_start3A_28 = tpu.memref_slice %arg6[%mul3A_27] : memref<10000xi32, #tpu.memory_space<vmem>> -> memref<80xi32, #tpu.memory_space<vmem>>
      %dma_start3A_29 = arith.constant 0 : i32
      %dma_start3A_30 = arith.constant 0 : i32
      %dma_start3A_31 = tpu.memref_slice %arg2[%dma_start3A_29, %dma_start3A_30] : memref<10112x128xf32, #tpu.memory_space<hbm>> -> memref<10112x128xf32, #tpu.memory_space<hbm>>
      tpu.enqueue_indirect_dma source(%dma_start3A_31 : memref<10112x128xf32, #tpu.memory_space<hbm>>) target(%arg9 : memref<80x128xf32, #tpu.memory_space<vmem>>) offsets(%dma_start3A_28 : memref<80xi32, #tpu.memory_space<vmem>>) semaphore(%arg12 : memref<!tpu.dma_semaphore, #tpu.memory_space<semaphore_mem>>)
      %mul3A_32 = arith.constant 80 : i32
      %mul3A_33 = arith.muli %mul3A_23, %mul3A_32 : i32
      %dma_wait3A_34 = tpu.memref_slice %arg6[%mul3A_33] : memref<10000xi32, #tpu.memory_space<vmem>> -> memref<80xi32, #tpu.memory_space<vmem>>
      %dma_wait3A_35 = arith.constant 0 : i32
      %dma_wait3A_36 = arith.constant 0 : i32
      %dma_wait3A_37 = tpu.memref_slice %arg2[%dma_wait3A_35, %dma_wait3A_36] : memref<10112x128xf32, #tpu.memory_space<hbm>> -> memref<10112x128xf32, #tpu.memory_space<hbm>>
      tpu.wait_indirect_dma semaphore(%arg11 : memref<!tpu.dma_semaphore, #tpu.memory_space<semaphore_mem>>) src(%dma_wait3A_37 : memref<10112x128xf32, #tpu.memory_space<hbm>>) dst(%arg8 : memref<80x128xf32, #tpu.memory_space<vmem>>)
      %mul3A_38 = arith.constant 80 : i32
      %mul3A_39 = arith.muli %mul3A_23, %mul3A_38 : i32
      "tpu.region"() ({
        %run_scoped3A_60 = tpu.sem_alloc : memref<!tpu.dma_semaphore, #tpu.memory_space<semaphore_mem>>
        %dma_start3A_61 = tpu.memref_slice %arg7[%mul3A_39] : memref<10000xi32, #tpu.memory_space<vmem>> -> memref<80xi32, #tpu.memory_space<vmem>>
        %dma_start3A_62 = arith.constant 0 : i32
        %dma_start3A_63 = arith.constant 0 : i32
        %dma_start3A_64 = tpu.memref_slice %arg10[%dma_start3A_62, %dma_start3A_63] : memref<10112x128xf32, #tpu.memory_space<vmem_shared>> -> memref<10112x128xf32, #tpu.memory_space<vmem_shared>>
        tpu.enqueue_indirect_dma source(%arg8 : memref<80x128xf32, #tpu.memory_space<vmem>>) target(%dma_start3A_64 : memref<10112x128xf32, #tpu.memory_space<vmem_shared>>) offsets(%dma_start3A_61 : memref<80xi32, #tpu.memory_space<vmem>>) semaphore(%run_scoped3A_60 : memref<!tpu.dma_semaphore, #tpu.memory_space<semaphore_mem>>) {add = true}
        %dma_wait3A_65 = tpu.memref_slice %arg7[%mul3A_39] : memref<10000xi32, #tpu.memory_space<vmem>> -> memref<80xi32, #tpu.memory_space<vmem>>
        %dma_wait3A_66 = arith.constant 0 : i32
        %dma_wait3A_67 = arith.constant 0 : i32
        %dma_wait3A_68 = tpu.memref_slice %arg10[%dma_wait3A_66, %dma_wait3A_67] : memref<10112x128xf32, #tpu.memory_space<vmem_shared>> -> memref<10112x128xf32, #tpu.memory_space<vmem_shared>>
        tpu.wait_indirect_dma semaphore(%run_scoped3A_60 : memref<!tpu.dma_semaphore, #tpu.memory_space<semaphore_mem>>) src(%arg8 : memref<80x128xf32, #tpu.memory_space<vmem>>) dst(%dma_wait3A_68 : memref<10112x128xf32, #tpu.memory_space<vmem_shared>>)
        tpu.yield
      }) : () -> ()
      %add3A_40 = arith.constant 2 : i32
      %add3A_41 = arith.addi %mul3A_23, %add3A_40 : i32
      %mul3A_42 = arith.constant 80 : i32
      %mul3A_43 = arith.muli %add3A_41, %mul3A_42 : i32
      %dma_start3A_44 = tpu.memref_slice %arg6[%mul3A_43] : memref<10000xi32, #tpu.memory_space<vmem>> -> memref<80xi32, #tpu.memory_space<vmem>>
      %dma_start3A_45 = arith.constant 0 : i32
      %dma_start3A_46 = arith.constant 0 : i32
      %dma_start3A_47 = tpu.memref_slice %arg2[%dma_start3A_45, %dma_start3A_46] : memref<10112x128xf32, #tpu.memory_space<hbm>> -> memref<10112x128xf32, #tpu.memory_space<hbm>>
      tpu.enqueue_indirect_dma source(%dma_start3A_47 : memref<10112x128xf32, #tpu.memory_space<hbm>>) target(%arg8 : memref<80x128xf32, #tpu.memory_space<vmem>>) offsets(%dma_start3A_44 : memref<80xi32, #tpu.memory_space<vmem>>) semaphore(%arg11 : memref<!tpu.dma_semaphore, #tpu.memory_space<semaphore_mem>>)
      %add3A_48 = arith.constant 1 : i32
      %add3A_49 = arith.addi %mul3A_23, %add3A_48 : i32
      %mul3A_50 = arith.constant 80 : i32
      %mul3A_51 = arith.muli %add3A_49, %mul3A_50 : i32
      %dma_wait3A_52 = tpu.memref_slice %arg6[%mul3A_51] : memref<10000xi32, #tpu.memory_space<vmem>> -> memref<80xi32, #tpu.memory_space<vmem>>
      %dma_wait3A_53 = arith.constant 0 : i32
      %dma_wait3A_54 = arith.constant 0 : i32
      %dma_wait3A_55 = tpu.memref_slice %arg2[%dma_wait3A_53, %dma_wait3A_54] : memref<10112x128xf32, #tpu.memory_space<hbm>> -> memref<10112x128xf32, #tpu.memory_space<hbm>>
      tpu.wait_indirect_dma semaphore(%arg12 : memref<!tpu.dma_semaphore, #tpu.memory_space<semaphore_mem>>) src(%dma_wait3A_55 : memref<10112x128xf32, #tpu.memory_space<hbm>>) dst(%arg9 : memref<80x128xf32, #tpu.memory_space<vmem>>)
      %add3A_56 = arith.constant 1 : i32
      %add3A_57 = arith.addi %mul3A_23, %add3A_56 : i32
      %mul3A_58 = arith.constant 80 : i32
      %mul3A_59 = arith.muli %add3A_57, %mul3A_58 : i32
      "tpu.region"() ({
        %run_scoped3A_60 = tpu.sem_alloc : memref<!tpu.dma_semaphore, #tpu.memory_space<semaphore_mem>>
        %dma_start3A_61 = tpu.memref_slice %arg7[%mul3A_59] : memref<10000xi32, #tpu.memory_space<vmem>> -> memref<80xi32, #tpu.memory_space<vmem>>
        %dma_start3A_62 = arith.constant 0 : i32
        %dma_start3A_63 = arith.constant 0 : i32
        %dma_start3A_64 = tpu.memref_slice %arg10[%dma_start3A_62, %dma_start3A_63] : memref<10112x128xf32, #tpu.memory_space<vmem_shared>> -> memref<10112x128xf32, #tpu.memory_space<vmem_shared>>
        tpu.enqueue_indirect_dma source(%arg9 : memref<80x128xf32, #tpu.memory_space<vmem>>) target(%dma_start3A_64 : memref<10112x128xf32, #tpu.memory_space<vmem_shared>>) offsets(%dma_start3A_61 : memref<80xi32, #tpu.memory_space<vmem>>) semaphore(%run_scoped3A_60 : memref<!tpu.dma_semaphore, #tpu.memory_space<semaphore_mem>>) {add = true}
        %dma_wait3A_65 = tpu.memref_slice %arg7[%mul3A_59] : memref<10000xi32, #tpu.memory_space<vmem>> -> memref<80xi32, #tpu.memory_space<vmem>>
        %dma_wait3A_66 = arith.constant 0 : i32
        %dma_wait3A_67 = arith.constant 0 : i32
        %dma_wait3A_68 = tpu.memref_slice %arg10[%dma_wait3A_66, %dma_wait3A_67] : memref<10112x128xf32, #tpu.memory_space<vmem_shared>> -> memref<10112x128xf32, #tpu.memory_space<vmem_shared>>
        tpu.wait_indirect_dma semaphore(%run_scoped3A_60 : memref<!tpu.dma_semaphore, #tpu.memory_space<semaphore_mem>>) src(%arg9 : memref<80x128xf32, #tpu.memory_space<vmem>>) dst(%dma_wait3A_68 : memref<10112x128xf32, #tpu.memory_space<vmem_shared>>)
        tpu.yield
      }) : () -> ()
    }
    %scan3A_11 = arith.constant 62 : i32
    %dma_wait3A = arith.constant 9920 : i32
    %dma_wait3A_12 = tpu.memref_slice %arg6[%dma_wait3A] : memref<10000xi32, #tpu.memory_space<vmem>> -> memref<80xi32, #tpu.memory_space<vmem>>
    %dma_wait3A_13 = arith.constant 0 : i32
    %dma_wait3A_14 = arith.constant 0 : i32
    %dma_wait3A_15 = tpu.memref_slice %arg2[%dma_wait3A_13, %dma_wait3A_14] : memref<10112x128xf32, #tpu.memory_space<hbm>> -> memref<10112x128xf32, #tpu.memory_space<hbm>>
    tpu.wait_indirect_dma semaphore(%arg11 : memref<!tpu.dma_semaphore, #tpu.memory_space<semaphore_mem>>) src(%dma_wait3A_15 : memref<10112x128xf32, #tpu.memory_space<hbm>>) dst(%arg8 : memref<80x128xf32, #tpu.memory_space<vmem>>)
    "tpu.region"() ({
      %run_scoped3A_17 = tpu.sem_alloc : memref<!tpu.dma_semaphore, #tpu.memory_space<semaphore_mem>>
      %dma_start3A_18 = arith.constant 9920 : i32
      %dma_start3A_19 = tpu.memref_slice %arg7[%dma_start3A_18] : memref<10000xi32, #tpu.memory_space<vmem>> -> memref<80xi32, #tpu.memory_space<vmem>>
      %dma_start3A_20 = arith.constant 0 : i32
      %dma_start3A_21 = arith.constant 0 : i32
      %dma_start3A_22 = tpu.memref_slice %arg10[%dma_start3A_20, %dma_start3A_21] : memref<10112x128xf32, #tpu.memory_space<vmem_shared>> -> memref<10112x128xf32, #tpu.memory_space<vmem_shared>>
      tpu.enqueue_indirect_dma source(%arg8 : memref<80x128xf32, #tpu.memory_space<vmem>>) target(%dma_start3A_22 : memref<10112x128xf32, #tpu.memory_space<vmem_shared>>) offsets(%dma_start3A_19 : memref<80xi32, #tpu.memory_space<vmem>>) semaphore(%run_scoped3A_17 : memref<!tpu.dma_semaphore, #tpu.memory_space<semaphore_mem>>) {add = true}
      %dma_wait3A_23 = arith.constant 9920 : i32
      %dma_wait3A_24 = tpu.memref_slice %arg7[%dma_wait3A_23] : memref<10000xi32, #tpu.memory_space<vmem>> -> memref<80xi32, #tpu.memory_space<vmem>>
      %dma_wait3A_25 = arith.constant 0 : i32
      %dma_wait3A_26 = arith.constant 0 : i32
      %dma_wait3A_27 = tpu.memref_slice %arg10[%dma_wait3A_25, %dma_wait3A_26] : memref<10112x128xf32, #tpu.memory_space<vmem_shared>> -> memref<10112x128xf32, #tpu.memory_space<vmem_shared>>
      tpu.wait_indirect_dma semaphore(%run_scoped3A_17 : memref<!tpu.dma_semaphore, #tpu.memory_space<semaphore_mem>>) src(%arg8 : memref<80x128xf32, #tpu.memory_space<vmem>>) dst(%dma_wait3A_27 : memref<10112x128xf32, #tpu.memory_space<vmem_shared>>)
      tpu.yield
    }) : () -> ()
    %barrier3A_16 = arith.constant 0 : index
    tpu.barrier barrier_id(%barrier3A_16)
    "tpu.region"() ({
      %run_scoped3A_17 = tpu.sem_alloc : memref<!tpu.dma_semaphore, #tpu.memory_space<semaphore_mem>>
      %dma_start3A_18 = arith.constant 0 : i32
      %dma_start3A_19 = tpu.memref_slice %arg5[%arg0, %mul3A_2, %dma_start3A_18] : memref<2x10112x128xf32, #tpu.memory_space<hbm>> -> memref<1x632x128xf32, #tpu.memory_space<hbm>>
      %dma_start3A_20 = tpu.memref_squeeze %dma_start3A_19 : memref<1x632x128xf32, #tpu.memory_space<hbm>> -> memref<632x128xf32, #tpu.memory_space<hbm>>
      %dma_start3A_21 = arith.constant 0 : i32
      %dma_start3A_22 = tpu.memref_slice %arg10[%mul3A_2, %dma_start3A_21] : memref<10112x128xf32, #tpu.memory_space<vmem_shared>> -> memref<632x128xf32, #tpu.memory_space<vmem_shared>>
      tpu.enqueue_dma source(%dma_start3A_22 : memref<632x128xf32, #tpu.memory_space<vmem_shared>>) target(%dma_start3A_20 : memref<632x128xf32, #tpu.memory_space<hbm>>) target_semaphore(%run_scoped3A_17 : memref<!tpu.dma_semaphore, #tpu.memory_space<semaphore_mem>>)
      %dma_wait3A_23 = arith.constant 0 : i32
      %dma_wait3A_24 = tpu.memref_slice %arg5[%arg0, %mul3A_2, %dma_wait3A_23] : memref<2x10112x128xf32, #tpu.memory_space<hbm>> -> memref<1x632x128xf32, #tpu.memory_space<hbm>>
      %dma_wait3A_25 = tpu.memref_squeeze %dma_wait3A_24 : memref<1x632x128xf32, #tpu.memory_space<hbm>> -> memref<632x128xf32, #tpu.memory_space<hbm>>
      %dma_wait3A_26 = arith.constant 0 : i32
      %dma_wait3A_27 = tpu.memref_slice %arg10[%mul3A_2, %dma_wait3A_26] : memref<10112x128xf32, #tpu.memory_space<vmem_shared>> -> memref<632x128xf32, #tpu.memory_space<vmem_shared>>
      tpu.wait_dma2 semaphore(%run_scoped3A_17 : memref<!tpu.dma_semaphore, #tpu.memory_space<semaphore_mem>>) src(%dma_wait3A_27 : memref<632x128xf32, #tpu.memory_space<vmem_shared>>) dst(%dma_wait3A_25 : memref<632x128xf32, #tpu.memory_space<hbm>>)
      tpu.yield
    }) : () -> ()
    return
  }
}

module attributes {stable_mosaic.version = 14 : i64} {
  func.func @_linear_scale_body(%arg0: i32, %arg1: memref<2000x1xf32, #tpu.memory_space<vmem>>, %arg2: memref<2000x128xf32, #tpu.memory_space<vmem>>, %arg3: memref<128x128xf32, #tpu.memory_space<vmem>>, %arg4: memref<1x128xf32, #tpu.memory_space<vmem>>, %arg5: memref<2000x128xf32, #tpu.memory_space<vmem>>, %arg6: memref<2000x1xf32, #tpu.memory_space<vmem>>) attributes {dimension_semantics = [#tpu.dimension_semantics<arbitrary>], iteration_bounds = array<i64: 5>, scalar_prefetch = 0 : i64, scratch_operands = 0 : i64, tpu.core_type = #tpu.core_type<tc>, window_params = [{transform_indices = @transform_0, window_bounds = array<i64: 2000, 1>}, {transform_indices = @transform_1, window_bounds = array<i64: 2000, 128>}, {pipeline_mode = #tpu.pipeline_mode<synchronous>, transform_indices = @transform_2, window_bounds = array<i64: 128, 128>}, {pipeline_mode = #tpu.pipeline_mode<synchronous>, transform_indices = @transform_3, window_bounds = array<i64: 1, 128>}, {transform_indices = @transform_4, window_bounds = array<i64: 2000, 128>}, {transform_indices = @transform_5, window_bounds = array<i64: 2000, 1>}]} {
    %get3A = arith.constant 0 : index
    %get3A_0 = arith.constant 0 : index
    %get3A_1 = vector.load %arg2[%get3A, %get3A_0] : memref<2000x128xf32, #tpu.memory_space<vmem>>, vector<2000x128xf32>
    %get3A_2 = arith.constant 0 : index
    %get3A_3 = arith.constant 0 : index
    %get3A_4 = vector.load %arg3[%get3A_2, %get3A_3] : memref<128x128xf32, #tpu.memory_space<vmem>>, vector<128x128xf32>
    %dot_general3A = arith.constant dense<0.000000e+00> : vector<2000x128xf32>
    %dot_general3A_5 = tpu.matmul %get3A_1, %get3A_4, %dot_general3A {dimension_numbers = #tpu.dot_dimension_numbers<[1], [1], [0], [0], [0, 0, 1, 0], [], []>, transpose_lhs_hint = false} : vector<2000x128xf32>, vector<128x128xf32>, vector<2000x128xf32> -> vector<2000x128xf32>
    %get3A_6 = arith.constant 0 : index
    %get3A_7 = arith.constant 0 : index
    %get3A_8 = vector.load %arg4[%get3A_6, %get3A_7] : memref<1x128xf32, #tpu.memory_space<vmem>>, vector<1x128xf32>
    %add3A = vector.broadcast %get3A_8 : vector<1x128xf32> to vector<2000x128xf32>
    %add3A_9 = arith.addf %dot_general3A_5, %add3A : vector<2000x128xf32>
    %get3A_10 = arith.constant 0 : index
    %get3A_11 = arith.constant 0 : index
    %get3A_12 = vector.load %arg1[%get3A_10, %get3A_11] : memref<2000x1xf32, #tpu.memory_space<vmem>>, vector<2000x1xf32>
    %add3A_13 = arith.constant 1.000000e+00 : f32
    %add3A_14 = vector.broadcast %add3A_13 : f32 to vector<2000x1xf32>
    %add3A_15 = arith.addf %get3A_12, %add3A_14 : vector<2000x1xf32>
    %rsqrt3A = math.rsqrt %add3A_15 : vector<2000x1xf32>
    %swap3A = arith.constant 0 : index
    %swap3A_16 = arith.constant 0 : index
    %swap3A_17 = vector.load %arg6[%swap3A, %swap3A_16] : memref<2000x1xf32, #tpu.memory_space<vmem>>, vector<2000x1xf32>
    tpu.vector_store %arg6[%swap3A, %swap3A_16], %rsqrt3A {strides = array<i32>} : memref<2000x1xf32, #tpu.memory_space<vmem>>, vector<2000x1xf32>,
    %mul3A = vector.broadcast %rsqrt3A : vector<2000x1xf32> to vector<2000x128xf32>
    %mul3A_18 = arith.mulf %add3A_9, %mul3A : vector<2000x128xf32>
    %swap3A_19 = arith.constant 0 : index
    %swap3A_20 = arith.constant 0 : index
    %swap3A_21 = vector.load %arg5[%swap3A_19, %swap3A_20] : memref<2000x128xf32, #tpu.memory_space<vmem>>, vector<2000x128xf32>
    tpu.vector_store %arg5[%swap3A_19, %swap3A_20], %mul3A_18 {strides = array<i32>} : memref<2000x128xf32, #tpu.memory_space<vmem>>, vector<2000x128xf32>,
    return
  }
  func.func @transform_0(%arg0: i32) -> (i32, i32) {
    %c0_i32 = arith.constant 0 : i32
    %c0_i32_0 = arith.constant 0 : i32
    return %arg0, %c0_i32 : i32, i32
  }
  func.func @transform_1(%arg0: i32) -> (i32, i32) {
    %c0_i32 = arith.constant 0 : i32
    %c0_i32_0 = arith.constant 0 : i32
    return %arg0, %c0_i32 : i32, i32
  }
  func.func @transform_2(%arg0: i32) -> (i32, i32) {
    %c0_i32 = arith.constant 0 : i32
    %c0_i32_0 = arith.constant 0 : i32
    %c0_i32_1 = arith.constant 0 : i32
    return %c0_i32, %c0_i32_0 : i32, i32
  }
  func.func @transform_3(%arg0: i32) -> (i32, i32) {
    %c0_i32 = arith.constant 0 : i32
    %c0_i32_0 = arith.constant 0 : i32
    %c0_i32_1 = arith.constant 0 : i32
    return %c0_i32, %c0_i32_0 : i32, i32
  }
  func.func @transform_4(%arg0: i32) -> (i32, i32) {
    %c0_i32 = arith.constant 0 : i32
    %c0_i32_0 = arith.constant 0 : i32
    return %arg0, %c0_i32 : i32, i32
  }
  func.func @transform_5(%arg0: i32) -> (i32, i32) {
    %c0_i32 = arith.constant 0 : i32
    %c0_i32_0 = arith.constant 0 : i32
    return %arg0, %c0_i32 : i32, i32
  }
}

module attributes {stable_mosaic.version = 14 : i64} {
  func.func @_combine_body(%arg0: i32, %arg1: memref<2x2000x128xf32, #tpu.memory_space<vmem>>, %arg2: memref<2000x128xf32, #tpu.memory_space<vmem>>, %arg3: memref<2000x1xf32, #tpu.memory_space<vmem>>, %arg4: memref<2000x128xf32, #tpu.memory_space<vmem>>) attributes {dimension_semantics = [#tpu.dimension_semantics<arbitrary>], iteration_bounds = array<i64: 5>, scalar_prefetch = 0 : i64, scratch_operands = 0 : i64, tpu.core_type = #tpu.core_type<tc>, window_params = [{transform_indices = @transform_0, window_bounds = array<i64: 2, 2000, 128>}, {transform_indices = @transform_1, window_bounds = array<i64: 2000, 128>}, {transform_indices = @transform_2, window_bounds = array<i64: 2000, 1>}, {transform_indices = @transform_3, window_bounds = array<i64: 2000, 128>}]} {
    %get3A = arith.constant 0 : index
    %get3A_0 = arith.constant 0 : index
    %get3A_1 = arith.constant 0 : index
    %get3A_2 = vector.load %arg1[%get3A, %get3A_0, %get3A_1] : memref<2x2000x128xf32, #tpu.memory_space<vmem>>, vector<1x2000x128xf32>
    %get3A_3 = vector.shape_cast %get3A_2 : vector<1x2000x128xf32> to vector<2000x128xf32>
    %get3A_4 = arith.constant 1 : index
    %get3A_5 = arith.constant 0 : index
    %get3A_6 = arith.constant 0 : index
    %get3A_7 = vector.load %arg1[%get3A_4, %get3A_5, %get3A_6] : memref<2x2000x128xf32, #tpu.memory_space<vmem>>, vector<1x2000x128xf32>
    %get3A_8 = vector.shape_cast %get3A_7 : vector<1x2000x128xf32> to vector<2000x128xf32>
    %add3A = arith.addf %get3A_3, %get3A_8 : vector<2000x128xf32>
    %get3A_9 = arith.constant 0 : index
    %get3A_10 = arith.constant 0 : index
    %get3A_11 = vector.load %arg2[%get3A_9, %get3A_10] : memref<2000x128xf32, #tpu.memory_space<vmem>>, vector<2000x128xf32>
    %sub3A = arith.subf %add3A, %get3A_11 : vector<2000x128xf32>
    %get3A_12 = arith.constant 0 : index
    %get3A_13 = arith.constant 0 : index
    %get3A_14 = vector.load %arg3[%get3A_12, %get3A_13] : memref<2000x1xf32, #tpu.memory_space<vmem>>, vector<2000x1xf32>
    %mul3A = vector.broadcast %get3A_14 : vector<2000x1xf32> to vector<2000x128xf32>
    %mul3A_15 = arith.mulf %sub3A, %mul3A : vector<2000x128xf32>
    %swap3A = arith.constant 0 : index
    %swap3A_16 = arith.constant 0 : index
    %swap3A_17 = vector.load %arg4[%swap3A, %swap3A_16] : memref<2000x128xf32, #tpu.memory_space<vmem>>, vector<2000x128xf32>
    tpu.vector_store %arg4[%swap3A, %swap3A_16], %mul3A_15 {strides = array<i32>} : memref<2000x128xf32, #tpu.memory_space<vmem>>, vector<2000x128xf32>,
    return
  }
  func.func @transform_0(%arg0: i32) -> (i32, i32, i32) {
    %c0_i32 = arith.constant 0 : i32
    %c0_i32_0 = arith.constant 0 : i32
    %c0_i32_1 = arith.constant 0 : i32
    return %c0_i32, %arg0, %c0_i32_0 : i32, i32, i32
  }
  func.func @transform_1(%arg0: i32) -> (i32, i32) {
    %c0_i32 = arith.constant 0 : i32
    %c0_i32_0 = arith.constant 0 : i32
    return %arg0, %c0_i32 : i32, i32
  }
  func.func @transform_2(%arg0: i32) -> (i32, i32) {
    %c0_i32 = arith.constant 0 : i32
    %c0_i32_0 = arith.constant 0 : i32
    return %arg0, %c0_i32 : i32, i32
  }
  func.func @transform_3(%arg0: i32) -> (i32, i32) {
    %c0_i32 = arith.constant 0 : i32
    %c0_i32_0 = arith.constant 0 : i32
    return %arg0, %c0_i32 : i32, i32
  }
}

</mosaic_0001>

<sc_bundles>
// kernel: kernel.6.cloned.1.call-start
scs
__scs_entry_jumppad:
0x0: {  	(pc) =	sbr.rel $0x88, $3  }
0x1: {  	(tag) =	ssettag $0x0;
	lr =	simm.s32 $0x1  }
0x2: {  	[smem:$0x3F9D] =	sst lr;
	_ =	strace $0xD0000000  }
0x3: {  	_ = 	snop  }
0x4: {  	_ = 	snop  }
0x5: {  	_ = 	snop  }
0x6: {  	_ = 	snop  }
0x7: {  	_ = 	snop  }
__scs_overlays_trampoline_lowered:
0x8: {  	[smem:$0x3FAC] =	sst s0  }
0x9: {  	[smem:$0x3FAD] =	sst s1  }
0xa: {  	[smem:$0x3FAE] =	sst s2  }
0xb: {  	[smem:$0x3FAF] =	sst s3  }
0xc: {  	[smem:$0x3FB0] =	sst s4  }
0xd: {  	[smem:$0x3FB1] =	sst s5  }
0xe: {  	[smem:$0x3FB2] =	sst s6  }
0xf: {  	[smem:$0x3FB3] =	sst s7  }
0x10: {  	[smem:$0x3FB4] =	sst s8  }
0x11: {  	[smem:$0x3FB5] =	sst s9;
	s0 =	simm.s32 @!p0 $0x0  }
0x12: {  	s1 =	sld [smem:$0x3F9B];
	s0 =	simm.s32 @p0 $0x1  }
0x13: {  	[smem:$0x3FB6] =	sst s0;
	s0 =	simm.s32 @!p1 $0x0  }
0x14: {  	s2 =	sld [smem:$0x3F9A];
	s0 =	simm.s32 @p1 $0x1  }
0x15: {  	[smem:$0x3FB7] =	sst s0;
	s0 =	simm.s32 @!p2 $0x0  }
0x16: {  	s3 =	sld [smem:$0x3FDB];
	s0 =	simm.s32 @p2 $0x1  }
0x17: {  	s4 =	simm.s32 $0x1BF5;
	[smem:$0x3FB9] =	sst s0  }
0x18: {  	s0 =	sld [smem:$0x3F9C];
	_ =	swait.ge [sflag:s4], $0x0  }
0x19: {  	s7 =	sld [smem:$0x3F9D]  }
0x1a: {  	s8 =	sadd.s32 $0xFFFFE003, lr  }
0x1b: {  	s9 =	sadd.s32 $0xFFFFFEF7, lr;
	s5 =	simm.s32 $0xFFFFFFFF;
	p2 =	slt.u32 s8, $0xFFFFF086  }
0x1c: {  	p1 =	slt.u32 s9, $0xF7A;
	s5 =	simm.s32 @!p2 $0x0  }
0x1d: {  	s5 =	simm.s32 @p1 $0x1;
	p0 =	seq.s32 s7, s2  }
0x1e: {  	s7 =	smul.u32 @!p0 $0xF7A, s2;
	p2 =	seq.s32 @!p0 s5, $0x0  }
0x1f: {  	s9 =	smul.u32 $0xF7A, s1;
	s8 =	simm.s32 @!p0 $0x1BF5;
	p2 =	por !p2, p0  }
0x20: {  	[sflag:s8] =	ssyncset.s32 @!p0 $0xFFFFF086;
	s6 =	sadd.s32 @!p0 s3, s7;
	s7 =	simm.s32 @!p0 $0x108  }
0x21: {  	s3 =	sadd.s32 s3, s9;
	s6 =	sadd.s32 @!p0 $0x88, s6;
	s7 =	simm.s32 @p2 $0x1082  }
0x22: {  	[simem:s7], [sflag:s8] =	dma.local @!p0 [hbm:s6], $0xF7A  }
0x23: {  	s9 =	sor.u32 $0xD0000000, s2;
	s6 =	simm.s32 $0x108;
	_ =	swait.ge @!p0 [sflag:s8], $0x0  }
0x24: {  	s3 =	sadd.s32 $0x88, s3;
	s6 =	simm.s32 @!p1 $0x1082;
	[sflag:s4] =	ssyncset.s32 $0xFFFFF086  }
0x25: {  	[simem:s6], [sflag:s4] =	dma.local [hbm:s3], $0xF7A  }
0x26: {  	[smem:$0x3F9D] =	sst s1;
	(tag) =	ssettag s2;
	_ =	strace s9  }
0x27: {  	s1 =	sld [smem:$0x3FAD]  }
0x28: {  	s2 =	sld [smem:$0x3FAE]  }
0x29: {  	s4 =	sld [smem:$0x3FB0]  }
0x2a: {  	p0 =	seq.s32 s5, $0x0;
	s5 =	sld [smem:$0x3FB1]  }
0x2b: {  	s6 =	sld [smem:$0x3FB2]  }
0x2c: {  	s7 =	sld [smem:$0x3FB3]  }
0x2d: {  	s3 =	simm.s32 $0x108;
	s8 =	sld [smem:$0x3FB4]  }
0x2e: {  	s3 =	simm.s32 @!p0 $0x1082;
	s9 =	sld [smem:$0x3FB5]  }
0x2f: {  	lr =	sadd.s32 s0, s3;
	s0 =	sld [smem:$0x3FAC]  }
0x30: {  	s3 =	sld [smem:$0x3FAF]  }
0x31: {  	[smem:$0x3FB8] =	sst s10  }
0x32: {  	s10 =	sld [smem:$0x3FB6];
	_ =	sdelay $0x3  }
0x33: {  	p0 =	seq.s32 s10, $0x1;
	s10 =	sld [smem:$0x3FB8];
	_ =	sdelay $0x3  }
0x34: {  	[smem:$0x3FB8] =	sst s10  }
0x35: {  	s10 =	sld [smem:$0x3FB7];
	_ =	sdelay $0x3  }
0x36: {  	p1 =	seq.s32 s10, $0x1;
	s10 =	sld [smem:$0x3FB8];
	_ =	sdelay $0x3  }
0x37: {  	[smem:$0x3FB8] =	sst s10  }
0x38: {  	s10 =	sld [smem:$0x3FB9]  }
0x39: {  	_ = 	snop;
	(pc) =	sbr.ind lr, $3  }
0x3a: {  	_ = 	snop  }
0x3b: {  	_ = 	snop  }
0x3c: {  	p2 =	seq.s32 s10, $0x1;
	s10 =	sld [smem:$0x3FB8]  }
0x3d: {  	_ =	shalt  }
0x3e: {  	_ =	shalt  }
0x3f: {  	_ =	shalt  }
0x40: {  	_ =	shalt  }
0x41: {  	_ =	shalt  }
0x42: {  	_ =	shalt  }
0x43: {  	_ =	shalt  }
0x44: {  	_ =	shalt  }
0x45: {  	_ =	shalt  }
0x46: {  	_ =	shalt  }
0x47: {  	_ =	shalt  }
0x48: {  	_ =	shalt  }
0x49: {  	_ =	shalt  }
0x4a: {  	_ =	shalt  }
0x4b: {  	_ =	shalt  }
0x4c: {  	_ =	shalt  }
0x4d: {  	_ =	shalt  }
0x4e: {  	_ =	shalt  }
0x4f: {  	_ =	shalt  }
0x50: {  	_ =	shalt  }
0x51: {  	_ =	shalt  }
0x52: {  	_ =	shalt  }
0x53: {  	_ =	shalt  }
0x54: {  	_ =	shalt  }
0x55: {  	_ =	shalt  }
0x56: {  	_ =	shalt  }
0x57: {  	_ =	shalt  }
0x58: {  	_ =	shalt  }
0x59: {  	_ =	shalt  }
0x5a: {  	_ =	shalt  }
0x5b: {  	_ =	shalt  }
0x5c: {  	_ =	shalt  }
0x5d: {  	_ =	shalt  }
0x5e: {  	_ =	shalt  }
0x5f: {  	_ =	shalt  }
0x60: {  	_ =	shalt  }
0x61: {  	_ =	shalt  }
0x62: {  	_ =	shalt  }
0x63: {  	_ =	shalt  }
0x64: {  	_ =	shalt  }
0x65: {  	_ =	shalt  }
0x66: {  	_ =	shalt  }
0x67: {  	_ =	shalt  }
0x68: {  	_ =	shalt  }
0x69: {  	_ =	shalt  }
0x6a: {  	_ =	shalt  }
0x6b: {  	_ =	shalt  }
0x6c: {  	_ =	shalt  }
0x6d: {  	_ =	shalt  }
0x6e: {  	_ =	shalt  }
0x6f: {  	_ =	shalt  }
0x70: {  	_ =	shalt  }
0x71: {  	_ =	shalt  }
0x72: {  	_ =	shalt  }
0x73: {  	_ =	shalt  }
0x74: {  	_ =	shalt  }
0x75: {  	_ =	shalt  }
0x76: {  	_ =	shalt  }
0x77: {  	_ =	shalt  }
0x78: {  	_ =	shalt  }
0x79: {  	_ =	shalt  }
0x7a: {  	_ =	shalt  }
0x7b: {  	_ =	shalt  }
0x7c: {  	_ =	shalt  }
0x7d: {  	_ =	shalt  }
0x7e: {  	_ =	shalt  }
0x7f: {  	_ =	shalt  }
0x80: {  	_ =	shalt  }
0x81: {  	_ =	shalt  }
0x82: {  	_ =	shalt  }
0x83: {  	_ =	shalt  }
0x84: {  	_ =	shalt  }
0x85: {  	_ =	shalt  }
0x86: {  	_ =	shalt  }
0x87: {  	_ =	shalt  }
.Lfunc_end0:
.L_simem_size_0:
called_computation_lowered:
.L_overlay_start_0:
0x88: {  	s2 =	sld [smem:$0x3FD9]  }
0x89: {  	s3 =	sld [smem:$0x3FFE];
	_ =	sdelay $0x1  }
0x8a: {  	s1 =	srdreg.scid  }
0x8b: {  	s0 =	sand.u32 $0x1, s1  }
0x8c: {  	s17 =	sshll.u32 s0, $0xA;
	s2 =	sadd.s32 s3, s2  }
0x8d: {  	s2 =	sadd.s32 s2, s17  }
0x8e: {  	[smem:$0x3FC4] =	sst s2  }
0x8f: {  	_ = 	snop  }
0x90: {  	s2 =	sld [smem:$0x3FD0];
	(tm) =	ssettm $0x1  }
0x91: {  	s18 =	sld [smem:$0x3FFB];
	_ =	sdelay $0x3  }
0x92: {  	_ =	strace s18  }
0x93: {  	s3 =	sld [smem:$0x3FFC];
	_ =	sdelay $0x3  }
0x94: {  	_ =	strace s3  }
0x95: {  	s3 =	sld [smem:$0x3FFD];
	_ =	sdelay $0x3  }
0x96: {  	_ =	strace s3  }
0x97: {  	_ =	strace $0x8FFFFFFF  }
0x98: {  	s19 =	sld [smem:$0x3FDB];
	_ =	sdelay $0x1  }
0x99: {  	s4 =	simm.s32 $_scs_section_size  }
0x9a: {  	s5 =	simm.s32 $_size__tile_overlayer_lowered;
	s6 =	simm.s32 $_tile_overlayer_lowered  }
0x9b: {  	s22 =	simm.s32 $0x1BFF;
	s21 =	sshll.u32 s6, $0x1;
	s3 =	sadd.s32 s4, s19  }
0x9c: {  	s7 =	simm.s32 $0x0;
	s20 =	sshll.u32 s5, $0x1;
	s5 =	sadd.s32 s21, s3  }
0x9d: {  	[timem:s7], [sflag:s22] =	dma.local [hbm:s5], s20  }
0x9e: {  	_ =	swait.ge [sflag:s22], s20  }
0x9f: {  	s4 =	ssub.s32 $0x0, s20;
	[sflag:s22] =	ssyncset.done $0x0  }
0xa0: {  	[sflag:s22] =	ssyncadd.s32 s4;
	_ =	sdelay $0x1  }
0xa1: {  	s23 =	simm.s32 $0x1B8B  }
0xa2: {  	_ =	swait.ge [sflag:s23], $0x1  }
0xa3: {  	[sflag:s23] =	ssyncset.done $0x0  }
0xa4: {  	s25 =	simm.s32 $0x1B8E;
	s24 =	sld [smem:$0x3FFE];
	[sflag:s23] =	ssyncadd.s32 $0xFFFFFFFF  }
0xa5: {  	s26 =	simm.s32 $execute0_lowered;
	[smem:$0x3FD2] =	sst s25  }
0xa6: {  	s5 =	sshll.u32 s26, $0x1;
	_ =	strace $0x80000046;
	[dreg:$0x1] =	wrdreg $0xFFFFFFFF  }
0xa7: {  	s28 =	simm.s32 $_size_execute0_lowered;
	s3 =	sadd.s32 s3, s5;
	[dreg:$0x0] =	wrdreg $0x0  }
0xa8: {  	s5 =	sshll.u32 s28, $0x1;
	[dreg:$0x2] =	wrdreg s3  }
0xa9: {  	[dreg:$0x3] =	wrdreg s5  }
0xaa: {  	[dreg:$0x4] =	wrdreg $0xC0  }
0xab: {  	_ =	task [dreg:s7], $0x5FFFF  }
0xac: {  	[dreg:$0x1] =	wrdreg $0xFFFFFFFF  }
0xad: {  	[dreg:$0x0] =	wrdreg $0x60  }
0xae: {  	[dreg:$0x2] =	wrdreg s2  }
0xaf: {  	[dreg:$0x3] =	wrdreg s24  }
0xb0: {  	[dreg:$0x4] =	wrdreg $0x77000  }
0xb1: {  	[dreg:$0x5] =	wrdreg $0x9  }
0xb2: {  	_ =	task.clear_ibuf [dreg:s7], $0x6FFFF;
	_ =	strace $0x90000046  }
0xb3: {  	s29 =	simm.s32 $0x9;
	_ =	strace $0x80000048  }
0xb4: {  	_ =	swait.ge [sflag:s29], $0x1  }
0xb5: {  	[sflag:s29] =	ssyncadd.s32 $0xFFFFFFFF  }
0xb6: {  	_ =	strace $0x90000048  }
0xb7: {  	_ =	sfence  }
0xb8: {  	s30 =	sld [smem:$0x0];
	_ =	sdelay $0x2  }
0xb9: {  	s31 =	sshll.u32 s1, $0xD;
	s1 =	sshrl.u32 s1, $0x2  }
0xba: {  	s3 =	sand.u32 $0x4000, s31;
	s1 =	sadd.s32 s1, s30  }
0xbb: {  	s0 =	sor.u32 s3, s0;
	s1 =	sshll.u32 s1, $0x11  }
0xbc: {  	s0 =	sor.u32 s1, s0  }
0xbd: {  	s0 =	sadd.s32 $0x8F2B, s0  }
0xbe: {  	[sflag:s0] =	ssyncadd.remote.s32 $0x1  }
0xbf: {  	_ =	sfence.sel $0xFFFF  }
0xc0: {  	[dreg:$0x0] =	wrdreg $0xFFFFFFFF;
	(pc) =	sbr.abs _section_cstart, $3  }
0xc1: {  	[dreg:$0x1] =	wrdreg $0xFFFFFFFF  }
0xc2: {  	_ =	task.clear_ibuf [dreg:s7], $0x2FFFF;
	_ =	strace $0x9FFFFFFF  }
0xc3: {  	(tm) =	ssettm $0x7FFFFFFF  }
tec
execute0_lowered:
.L_overlay_start_1:
0x0: {  	(tag) =	ssettag $0x1  }
0x1: {  	s8 =	rddreg [dreg:$0x0]  }
0x2: {  	s5 =	rddreg [dreg:$0x1]  }
0x3: {  	s1 =	rddreg [dreg:$0x2]  }
0x4: {  	s2 =	srdreg.scid;
	s0 =	rddreg [dreg:$0x3]  }
0x5: {  	s3 =	simm.s32 $0x0;
	s13 =	simm.s32 $0x2710;
	s14 =	simm.s32 $0x4E80  }
0x6: {  	s15 =	simm.s32 $0x50;
	s6 =	sand.u32 $0x1, s2;
	s2 =	stileid.u32  }
0x7: {  	[smem:$0x7FF] =	sst s3;
	s4 =	sadd.s32 $0x1A00, s5;
	s7 =	smul.u32 $0x2800, s6  }
0x8: {  	s9 =	sshll.u32 s2, $0xB;
	_ =	strace $0x80000047;
	s10 =	smul.u32 $0x4F00, s2  }
0x9: {  	s6 =	ssub.s32 $0x2, s6;
	s31 =	smul.u32 $0x9E0, s2;
	p0 =	sgt.u32 s2, $0x4  }
0xa: {  	s30 =	sshrl.u32 s6, $0x1;
	s16 =	sshll.u32 @!p0 s2, $0x6;
	s7 =	sadd.s32 s9, s7  }
0xb: {  	s12 =	ssub.s32 s6, s30;
	s10 =	sshrl.u32 s10, $0x3;
	s7 =	sshrl.u32 s7, $0x3  }
0xc: {  	s6 =	sadd.s32 $0x4E80, s9;
	s16 =	sor.u32 @!p0 $0x1C01, s16;
	s11 =	sadd.s32 s7, s5  }
0xd: {  	s5 =	sadd.s32 s9, s1;
	s7 =	sadd.s32 s8, s31;
	s8 =	sadd.s32 s8, s10  }
0xe: {  	s10 =	smax.u32 s12, $0x1;
	s12 =	simm.s32 $0x1;
	s8 =	sadd.s32 $0x4F0, s8  }
0xf: {  	v0 =	vimm.f32 $0.0e+00;
	v1 =	vimm.f32 $1.000000000e+00;
	s9 =	sadd.s32 $0x1C00, s11;
	s11 =	simm.s32 $0x7680;
	s17 =	sshrl.u32 @!p0 s5, $0x3  }
.LBB2_1:
0x10: {  	s18 =	simm.s32 $0x70;
	s19 =	simm.s32 $0x3C0  }
.LBB2_2:
0x11: {  	p1 =	sne.s32 s19, $0x9FC0;
	[tilespmem:s18+$0x4E80] =	vst v0  }
0x12: {  	[tilespmem:s18+$0x4E10] =	vst v0  }
0x13: {  	[tilespmem:s18+$0x4E20] =	vst v0  }
.Ltmp0:
0x14: {  	[tilespmem:s18+$0x4E30] =	vst v0;
	(pc) =	sbr.rel @p1 .LBB2_2-.Ltmp0, $4  }
0x15: {  	[tilespmem:s18+$0x4E40] =	vst v0  }
0x16: {  	[tilespmem:s18+$0x4E50] =	vst v0  }
0x17: {  	[tilespmem:s18+$0x4E60] =	vst v0  }
0x18: {  	[tilespmem:s18+$0x4E70] =	vst v0;
	s18 =	sshra.s32 s19, $0x2;
	s19 =	sadd.s32 $0x200, s19  }
0x19: {  	[tilespmem:s18+$0x4E80] =	vst v0  }
0x1a: {  	[tilespmem:s18+$0x4E10] =	vst v0  }
0x1b: {  	[tilespmem:s18+$0x4E20] =	vst v0  }
0x1c: {  	[tilespmem:s18+$0x4E30] =	vst v0  }
0x1d: {  	[tilespmem:s18+$0x4E40] =	vst v0  }
0x1e: {  	[tilespmem:s18+$0x4E50] =	vst v0  }
0x1f: {  	[tilespmem:s18+$0x4E60] =	vst v0  }
0x20: {  	[tilespmem:s18+$0x4E70] =	vst v0;
	s18 =	simm.s32 @!p0 $0x1  }
0x21: {  	[spmem:s5] =	stream.linear.scatter @!p0 [tilespmem:s6], [sflag:$0x1], $0x800, $0x38;
	[tilespmem:$0x7980] =	vst v63  }
0x22: {  	_ =	swait.ge @!p0 [sflag:s18], $0x800  }
0x23: {  	[sflag:s18] =	ssyncset.done @!p0 $0x0  }
0x24: {  	s31 =	simm.s32 $0x0;
	[sflag:s18] =	ssyncadd.s32 @!p0 $0xFFFFF800  }
0x25: {  	[tilespmem:s11], [sflag:$0x1] =	stream.linear.gather [hbm4b:s4+s31], $0x80, $0x38;
	[tilespmem:$0x7980] =	vst v63  }
0x26: {  	_ =	swait.ge [sflag:s12], $0x80  }
0x27: {  	[sflag:s12] =	ssyncset.done $0x0  }
0x28: {  	[sflag:s12] =	ssyncadd.s32 $0xFFFFFF80  }
0x29: {  	[tilespmem:s31], [sflag:$0x1] =	stream.linear.gather [hbm4b:s7+s31], $0x2710, $0x38;
	[tilespmem:$0x7980] =	vst v63  }
0x2a: {  	_ =	swait.ge [sflag:s12], $0x2710  }
0x2b: {  	[sflag:s12] =	ssyncset.done $0x0  }
0x2c: {  	[sflag:s12] =	ssyncadd.s32 $0xFFFFD8F0  }
0x2d: {  	[tilespmem:s13], [sflag:$0x1] =	stream.linear.gather [hbm4b:s8+s31], $0x2710, $0x38;
	[tilespmem:$0x7980] =	vst v63  }
0x2e: {  	_ =	swait.ge [sflag:s12], $0x2710  }
0x2f: {  	[sflag:s12] =	ssyncset.done $0x0  }
0x30: {  	s19 =	simm.s32 $0x0;
	s18 =	simm.s32 $0x40;
	[sflag:s12] =	ssyncadd.s32 $0xFFFFD8F0  }
.LBB2_4:
0x31: {  	p1 =	sne.s32 s18, $0x13840;
	v2 =	vld [tilespmem:s19+$0x0];
	_ =	sdelay $0x3  }
.Ltmp1:
0x32: {  	(pc) =	sbr.rel @p1 .LBB2_4-.Ltmp1, $2  }
0x33: {  	_ =	sdelay $0x2  }
0x34: {  	s19 =	sshra.s32 s18, $0x2;
	s18 =	sadd.s32 $0x40, s18;
	[tilespmem:v2+s14+$0x0] =	vst.idx.add.f32.msk $0xffff, v1  }
0x35: {  	v2 =	vld [tilespmem:s19+$0x0];
	_ =	sdelay $0x7  }
0x36: {  	[tilespmem:v2+s14+$0x0] =	vst.idx.add.f32.msk $0xffff, v1  }
0x37: {  	[bflag:$0x0] =	sbarrier.arrive $0xFFFF  }
0x38: {  	[spmem:s1] =	stream.indirect.scatter.add.f32 [tilespmem:s14], [sflag:$0x1], $0x80, s11, s15, $0xb8;
	[tilespmem:$0x7980] =	vst v63  }
0x39: {  	_ =	swait.ge [sflag:s12], $0x2800  }
0x3a: {  	s3 =	sadd.s32 $0x1, s3;
	[sflag:s12] =	ssyncset.done $0x0  }
0x3b: {  	p1 =	sne.s32 s3, s10;
	[sflag:s12] =	ssyncadd.s32 $0xFFFFD800  }
.Ltmp2:
0x3c: {  	s18 =	simm.s32 @!p0 $0x1;
	[bflag:$0x0] =	sbarrier.arrive $0xFFFF;
	(pc) =	sbr.rel @p1 .LBB2_1-.Ltmp2, $4  }
0x3d: {  	[hbm:s9], [sflag:s16] =	dma.local @!p0 [spmem:s17], $0x100  }
0x3e: {  	_ =	swait.ge @!p0 [sflag:s18], $0x100  }
0x3f: {  	[sflag:s18] =	ssyncset.done @!p0 $0x0  }
0x40: {  	[sflag:s18] =	ssyncadd.s32 @!p0 $0xFFFFFF00  }
0x41: {  	_ =	sfence.sel $0x180000  }
0x42: {  	[bflag:$0x0] =	sbarrier.arrive $0xFFFF  }
0x43: {  	p0 =	sne.s32 s2, $0x0;
	_ =	strace $0x90000047  }
0x44: {  	s0 =	sadd.s32 @!p0 $0x100000, s0;
	[bflag:$0x2] =	sbarrier.arrive $0xFFFF  }
0x45: {  	[sflag:s0] =	ssyncadd.tile.s32 @!p0 $0x1;
	_ =	shalt  }
.Lfunc_end2:
_tile_overlayer_lowered:
.L_overlay_start_2:
0x46: {  	(tag) =	ssettag $0x2  }
0x47: {  	s0 =	rddreg [dreg:$0x0];
	s2 =	stileid.u32  }
0x48: {  	s1 =	rddreg [dreg:$0x1];
	p0 =	sne.s32 s2, $0x0  }
0x49: {  	s3 =	rddreg [dreg:$0x2];
	[bflag:$0x3] =	sbarrier.arrive $0xFFFF;
	s2 =	simm.s32 @!p0 $0x1C01  }
0x4a: {  	[timem:s3], [sflag:s2] =	dma.local @!p0 [hbm:s0], s1  }
0x4b: {  	s0 =	simm.s32 @!p0 $0x1  }
0x4c: {  	_ =	swait.ge @!p0 [sflag:s0], s1  }
0x4d: {  	s1 =	ssub.s32 @!p0 $0x0, s1;
	[sflag:s0] =	ssyncset.done @!p0 $0x0  }
0x4e: {  	[sflag:s0] =	ssyncadd.s32 @!p0 s1  }
0x4f: {  	[bflag:$0x3] =	sbarrier.arrive $0xFFFF  }
0x50: {  	_ =	shalt  }

// kernel: kernel.9.cloned.1.call-start
scs
__scs_entry_jumppad:
0x0: {  	(pc) =	sbr.rel $0x88, $3  }
0x1: {  	(tag) =	ssettag $0x0;
	lr =	simm.s32 $0x1  }
0x2: {  	[smem:$0x3F9D] =	sst lr;
	_ =	strace $0xD0000000  }
0x3: {  	_ = 	snop  }
0x4: {  	_ = 	snop  }
0x5: {  	_ = 	snop  }
0x6: {  	_ = 	snop  }
0x7: {  	_ = 	snop  }
__scs_overlays_trampoline_lowered:
0x8: {  	[smem:$0x3FAC] =	sst s0  }
0x9: {  	[smem:$0x3FAD] =	sst s1  }
0xa: {  	[smem:$0x3FAE] =	sst s2  }
0xb: {  	[smem:$0x3FAF] =	sst s3  }
0xc: {  	[smem:$0x3FB0] =	sst s4  }
0xd: {  	[smem:$0x3FB1] =	sst s5  }
0xe: {  	[smem:$0x3FB2] =	sst s6  }
0xf: {  	[smem:$0x3FB3] =	sst s7  }
0x10: {  	[smem:$0x3FB4] =	sst s8  }
0x11: {  	[smem:$0x3FB5] =	sst s9;
	s0 =	simm.s32 @!p0 $0x0  }
0x12: {  	s1 =	sld [smem:$0x3F9B];
	s0 =	simm.s32 @p0 $0x1  }
0x13: {  	[smem:$0x3FB6] =	sst s0;
	s0 =	simm.s32 @!p1 $0x0  }
0x14: {  	s2 =	sld [smem:$0x3F9A];
	s0 =	simm.s32 @p1 $0x1  }
0x15: {  	[smem:$0x3FB7] =	sst s0;
	s0 =	simm.s32 @!p2 $0x0  }
0x16: {  	s3 =	sld [smem:$0x3FDB];
	s0 =	simm.s32 @p2 $0x1  }
0x17: {  	s4 =	simm.s32 $0x1BF5;
	[smem:$0x3FB9] =	sst s0  }
0x18: {  	s0 =	sld [smem:$0x3F9C];
	_ =	swait.ge [sflag:s4], $0x0  }
0x19: {  	s7 =	sld [smem:$0x3F9D]  }
0x1a: {  	s8 =	sadd.s32 $0xFFFFE003, lr  }
0x1b: {  	s9 =	sadd.s32 $0xFFFFFEF7, lr;
	s5 =	simm.s32 $0xFFFFFFFF;
	p2 =	slt.u32 s8, $0xFFFFF086  }
0x1c: {  	p1 =	slt.u32 s9, $0xF7A;
	s5 =	simm.s32 @!p2 $0x0  }
0x1d: {  	s5 =	simm.s32 @p1 $0x1;
	p0 =	seq.s32 s7, s2  }
0x1e: {  	s7 =	smul.u32 @!p0 $0xF7A, s2;
	p2 =	seq.s32 @!p0 s5, $0x0  }
0x1f: {  	s9 =	smul.u32 $0xF7A, s1;
	s8 =	simm.s32 @!p0 $0x1BF5;
	p2 =	por !p2, p0  }
0x20: {  	[sflag:s8] =	ssyncset.s32 @!p0 $0xFFFFF086;
	s6 =	sadd.s32 @!p0 s3, s7;
	s7 =	simm.s32 @!p0 $0x108  }
0x21: {  	s3 =	sadd.s32 s3, s9;
	s6 =	sadd.s32 @!p0 $0x88, s6;
	s7 =	simm.s32 @p2 $0x1082  }
0x22: {  	[simem:s7], [sflag:s8] =	dma.local @!p0 [hbm:s6], $0xF7A  }
0x23: {  	s9 =	sor.u32 $0xD0000000, s2;
	s6 =	simm.s32 $0x108;
	_ =	swait.ge @!p0 [sflag:s8], $0x0  }
0x24: {  	s3 =	sadd.s32 $0x88, s3;
	s6 =	simm.s32 @!p1 $0x1082;
	[sflag:s4] =	ssyncset.s32 $0xFFFFF086  }
0x25: {  	[simem:s6], [sflag:s4] =	dma.local [hbm:s3], $0xF7A  }
0x26: {  	[smem:$0x3F9D] =	sst s1;
	(tag) =	ssettag s2;
	_ =	strace s9  }
0x27: {  	s1 =	sld [smem:$0x3FAD]  }
0x28: {  	s2 =	sld [smem:$0x3FAE]  }
0x29: {  	s4 =	sld [smem:$0x3FB0]  }
0x2a: {  	p0 =	seq.s32 s5, $0x0;
	s5 =	sld [smem:$0x3FB1]  }
0x2b: {  	s6 =	sld [smem:$0x3FB2]  }
0x2c: {  	s7 =	sld [smem:$0x3FB3]  }
0x2d: {  	s3 =	simm.s32 $0x108;
	s8 =	sld [smem:$0x3FB4]  }
0x2e: {  	s3 =	simm.s32 @!p0 $0x1082;
	s9 =	sld [smem:$0x3FB5]  }
0x2f: {  	lr =	sadd.s32 s0, s3;
	s0 =	sld [smem:$0x3FAC]  }
0x30: {  	s3 =	sld [smem:$0x3FAF]  }
0x31: {  	[smem:$0x3FB8] =	sst s10  }
0x32: {  	s10 =	sld [smem:$0x3FB6];
	_ =	sdelay $0x3  }
0x33: {  	p0 =	seq.s32 s10, $0x1;
	s10 =	sld [smem:$0x3FB8];
	_ =	sdelay $0x3  }
0x34: {  	[smem:$0x3FB8] =	sst s10  }
0x35: {  	s10 =	sld [smem:$0x3FB7];
	_ =	sdelay $0x3  }
0x36: {  	p1 =	seq.s32 s10, $0x1;
	s10 =	sld [smem:$0x3FB8];
	_ =	sdelay $0x3  }
0x37: {  	[smem:$0x3FB8] =	sst s10  }
0x38: {  	s10 =	sld [smem:$0x3FB9]  }
0x39: {  	_ = 	snop;
	(pc) =	sbr.ind lr, $3  }
0x3a: {  	_ = 	snop  }
0x3b: {  	_ = 	snop  }
0x3c: {  	p2 =	seq.s32 s10, $0x1;
	s10 =	sld [smem:$0x3FB8]  }
0x3d: {  	_ =	shalt  }
0x3e: {  	_ =	shalt  }
0x3f: {  	_ =	shalt  }
0x40: {  	_ =	shalt  }
0x41: {  	_ =	shalt  }
0x42: {  	_ =	shalt  }
0x43: {  	_ =	shalt  }
0x44: {  	_ =	shalt  }
0x45: {  	_ =	shalt  }
0x46: {  	_ =	shalt  }
0x47: {  	_ =	shalt  }
0x48: {  	_ =	shalt  }
0x49: {  	_ =	shalt  }
0x4a: {  	_ =	shalt  }
0x4b: {  	_ =	shalt  }
0x4c: {  	_ =	shalt  }
0x4d: {  	_ =	shalt  }
0x4e: {  	_ =	shalt  }
0x4f: {  	_ =	shalt  }
0x50: {  	_ =	shalt  }
0x51: {  	_ =	shalt  }
0x52: {  	_ =	shalt  }
0x53: {  	_ =	shalt  }
0x54: {  	_ =	shalt  }
0x55: {  	_ =	shalt  }
0x56: {  	_ =	shalt  }
0x57: {  	_ =	shalt  }
0x58: {  	_ =	shalt  }
0x59: {  	_ =	shalt  }
0x5a: {  	_ =	shalt  }
0x5b: {  	_ =	shalt  }
0x5c: {  	_ =	shalt  }
0x5d: {  	_ =	shalt  }
0x5e: {  	_ =	shalt  }
0x5f: {  	_ =	shalt  }
0x60: {  	_ =	shalt  }
0x61: {  	_ =	shalt  }
0x62: {  	_ =	shalt  }
0x63: {  	_ =	shalt  }
0x64: {  	_ =	shalt  }
0x65: {  	_ =	shalt  }
0x66: {  	_ =	shalt  }
0x67: {  	_ =	shalt  }
0x68: {  	_ =	shalt  }
0x69: {  	_ =	shalt  }
0x6a: {  	_ =	shalt  }
0x6b: {  	_ =	shalt  }
0x6c: {  	_ =	shalt  }
0x6d: {  	_ =	shalt  }
0x6e: {  	_ =	shalt  }
0x6f: {  	_ =	shalt  }
0x70: {  	_ =	shalt  }
0x71: {  	_ =	shalt  }
0x72: {  	_ =	shalt  }
0x73: {  	_ =	shalt  }
0x74: {  	_ =	shalt  }
0x75: {  	_ =	shalt  }
0x76: {  	_ =	shalt  }
0x77: {  	_ =	shalt  }
0x78: {  	_ =	shalt  }
0x79: {  	_ =	shalt  }
0x7a: {  	_ =	shalt  }
0x7b: {  	_ =	shalt  }
0x7c: {  	_ =	shalt  }
0x7d: {  	_ =	shalt  }
0x7e: {  	_ =	shalt  }
0x7f: {  	_ =	shalt  }
0x80: {  	_ =	shalt  }
0x81: {  	_ =	shalt  }
0x82: {  	_ =	shalt  }
0x83: {  	_ =	shalt  }
0x84: {  	_ =	shalt  }
0x85: {  	_ =	shalt  }
0x86: {  	_ =	shalt  }
0x87: {  	_ =	shalt  }
.Lfunc_end0:
.L_simem_size_0:
called_computation.1_lowered:
.L_overlay_start_0:
0x88: {  	s2 =	sld [smem:$0x3FD9]  }
0x89: {  	s3 =	sld [smem:$0x3FFE];
	_ =	sdelay $0x1  }
0x8a: {  	s1 =	srdreg.scid  }
0x8b: {  	s0 =	sand.u32 $0x1, s1  }
0x8c: {  	s17 =	sshll.u32 s0, $0xA;
	s2 =	sadd.s32 s3, s2  }
0x8d: {  	s2 =	sadd.s32 s2, s17  }
0x8e: {  	[smem:$0x3FC4] =	sst s2  }
0x8f: {  	_ = 	snop  }
0x90: {  	s2 =	sld [smem:$0x3FD0];
	(tm) =	ssettm $0x1  }
0x91: {  	s18 =	sld [smem:$0x3FFB];
	_ =	sdelay $0x3  }
0x92: {  	_ =	strace s18  }
0x93: {  	s3 =	sld [smem:$0x3FFC];
	_ =	sdelay $0x3  }
0x94: {  	_ =	strace s3  }
0x95: {  	s3 =	sld [smem:$0x3FFD];
	_ =	sdelay $0x3  }
0x96: {  	_ =	strace s3  }
0x97: {  	_ =	strace $0x8FFFFFFF  }
0x98: {  	s19 =	sld [smem:$0x3FDB];
	_ =	sdelay $0x1  }
0x99: {  	s4 =	simm.s32 $_scs_section_size  }
0x9a: {  	s5 =	simm.s32 $_size__tile_overlayer_lowered;
	s6 =	simm.s32 $_tile_overlayer_lowered  }
0x9b: {  	s22 =	simm.s32 $0x1BFF;
	s21 =	sshll.u32 s6, $0x1;
	s3 =	sadd.s32 s4, s19  }
0x9c: {  	s7 =	simm.s32 $0x0;
	s20 =	sshll.u32 s5, $0x1;
	s5 =	sadd.s32 s21, s3  }
0x9d: {  	[timem:s7], [sflag:s22] =	dma.local [hbm:s5], s20  }
0x9e: {  	_ =	swait.ge [sflag:s22], s20  }
0x9f: {  	s4 =	ssub.s32 $0x0, s20;
	[sflag:s22] =	ssyncset.done $0x0  }
0xa0: {  	[sflag:s22] =	ssyncadd.s32 s4;
	_ =	sdelay $0x1  }
0xa1: {  	s23 =	simm.s32 $0x1B8B  }
0xa2: {  	_ =	swait.ge [sflag:s23], $0x1  }
0xa3: {  	[sflag:s23] =	ssyncset.done $0x0  }
0xa4: {  	s25 =	simm.s32 $0x1B8E;
	s24 =	sld [smem:$0x3FFE];
	[sflag:s23] =	ssyncadd.s32 $0xFFFFFFFF  }
0xa5: {  	s26 =	simm.s32 $execute0_lowered;
	[smem:$0x3FD2] =	sst s25  }
0xa6: {  	s5 =	sshll.u32 s26, $0x1;
	_ =	strace $0x80000049;
	[dreg:$0x1] =	wrdreg $0xFFFFFFFF  }
0xa7: {  	s28 =	simm.s32 $_size_execute0_lowered;
	s3 =	sadd.s32 s3, s5;
	[dreg:$0x0] =	wrdreg $0x0  }
0xa8: {  	s5 =	sshll.u32 s28, $0x1;
	[dreg:$0x2] =	wrdreg s3  }
0xa9: {  	[dreg:$0x3] =	wrdreg s5  }
0xaa: {  	[dreg:$0x4] =	wrdreg $0xC0  }
0xab: {  	_ =	task [dreg:s7], $0x5FFFF  }
0xac: {  	[dreg:$0x1] =	wrdreg $0xFFFFFFFF  }
0xad: {  	[dreg:$0x0] =	wrdreg $0x60  }
0xae: {  	[dreg:$0x2] =	wrdreg s24  }
0xaf: {  	[dreg:$0x3] =	wrdreg s2  }
0xb0: {  	[dreg:$0x4] =	wrdreg $0x9F000  }
0xb1: {  	[dreg:$0x5] =	wrdreg $0x9  }
0xb2: {  	_ =	task.clear_ibuf [dreg:s7], $0x6FFFF;
	_ =	strace $0x90000049  }
0xb3: {  	s29 =	simm.s32 $0x9;
	_ =	strace $0x8000004B  }
0xb4: {  	_ =	swait.ge [sflag:s29], $0x1  }
0xb5: {  	[sflag:s29] =	ssyncadd.s32 $0xFFFFFFFF  }
0xb6: {  	_ =	strace $0x9000004B  }
0xb7: {  	_ =	sfence  }
0xb8: {  	s30 =	sld [smem:$0x0];
	_ =	sdelay $0x2  }
0xb9: {  	s31 =	sshll.u32 s1, $0xD;
	s1 =	sshrl.u32 s1, $0x2  }
0xba: {  	s3 =	sand.u32 $0x4000, s31;
	s1 =	sadd.s32 s1, s30  }
0xbb: {  	s0 =	sor.u32 s3, s0;
	s1 =	sshll.u32 s1, $0x11  }
0xbc: {  	s0 =	sor.u32 s1, s0  }
0xbd: {  	s0 =	sadd.s32 $0x8F2B, s0  }
0xbe: {  	[sflag:s0] =	ssyncadd.remote.s32 $0x1  }
0xbf: {  	_ =	sfence.sel $0xFFFF  }
0xc0: {  	[dreg:$0x0] =	wrdreg $0xFFFFFFFF;
	(pc) =	sbr.abs _section_cstart, $3  }
0xc1: {  	[dreg:$0x1] =	wrdreg $0xFFFFFFFF  }
0xc2: {  	_ =	task.clear_ibuf [dreg:s7], $0x2FFFF;
	_ =	strace $0x9FFFFFFF  }
0xc3: {  	(tm) =	ssettm $0x7FFFFFFF  }
tec
execute0_lowered:
.L_overlay_start_1:
0x0: {  	(tag) =	ssettag $0x1  }
0x1: {  	s5 =	rddreg [dreg:$0x0]  }
0x2: {  	s8 =	rddreg [dreg:$0x1]  }
0x3: {  	s2 =	rddreg [dreg:$0x2]  }
0x4: {  	s0 =	rddreg [dreg:$0x3];
	s4 =	srdreg.scid  }
0x5: {  	s1 =	stileid.u32;
	s3 =	simm.s32 $0x0;
	s14 =	simm.s32 $0x50  }
0x6: {  	s15 =	simm.s32 $0x4F00;
	s16 =	simm.s32 $0x7700;
	s17 =	simm.s32 $0x1  }
0x7: {  	s18 =	simm.s32 $0x2;
	s19 =	simm.s32 $0x4E40;
	s20 =	simm.s32 $0x0  }
0x8: {  	s6 =	sand.u32 $0x1, s4;
	s7 =	smul.u32 $0x13C00, s1;
	[smem:$0x7FF] =	sst s3  }
0x9: {  	s11 =	smul.u32 $0x4F000, s1;
	s31 =	sshll.u32 s1, $0x6;
	s4 =	sshll.u32 s6, $0x4  }
0xa: {  	s9 =	smul.u32 $0x13C000, s6;
	_ =	strace $0x8000004A;
	s6 =	ssub.s32 $0x2, s6  }
0xb: {  	s10 =	sor.u32 s1, s4;
	s4 =	sadd.s32 $0xC400, s5;
	s28 =	sshrl.u32 s6, $0x1  }
0xc: {  	s29 =	sshrl.u32 s11, $0x2;
	s30 =	sshrl.u32 s7, $0x3;
	s10 =	smul.u32 $0x4F0, s10  }
0xd: {  	s9 =	sadd.s32 s7, s9;
	s13 =	ssub.s32 s6, s28;
	s11 =	sadd.s32 s29, s2  }
0xe: {  	s6 =	sor.u32 $0x1C03, s31;
	s9 =	sshrl.u32 s9, $0x3;
	s11 =	sshrl.u32 s11, $0x3  }
0xf: {  	s12 =	sadd.s32 s10, s5;
	s9 =	sadd.s32 s9, s5;
	s5 =	sadd.s32 s4, s30  }
0x10: {  	s8 =	sadd.s32 s8, s10;
	s10 =	smax.u32 s13, $0x1;
	s13 =	simm.s32 $0x2780  }
0x11: {  	s7 =	sadd.s32 $0x2600, s12;
	s9 =	sadd.s32 $0x33C00, s9;
	s12 =	simm.s32 $0x3  }
.LBB2_1:
0x12: {  	[spmem:s11], [sflag:s6] =	dma.local [hbm:s5], $0x2780  }
0x13: {  	_ =	swait.ge [sflag:s12], $0x2780  }
0x14: {  	[sflag:s12] =	ssyncset.done $0x0  }
0x15: {  	[sflag:s12] =	ssyncadd.s32 $0xFFFFD880  }
0x16: {  	[tilespmem:s3], [sflag:$0x3] =	stream.linear.gather [hbm4b:s7+s3], $0x2780, $0x38;
	[tilespmem:$0x1DB00] =	vst v63  }
0x17: {  	_ =	swait.ge [sflag:s12], $0x2780  }
0x18: {  	[sflag:s12] =	ssyncset.done $0x0  }
0x19: {  	[sflag:s12] =	ssyncadd.s32 $0xFFFFD880  }
0x1a: {  	[tilespmem:s13], [sflag:$0x3] =	stream.linear.gather [hbm4b:s8+s3], $0x2780, $0x38;
	[tilespmem:$0x1DB00] =	vst v63  }
0x1b: {  	_ =	swait.ge [sflag:s12], $0x2780  }
0x1c: {  	[sflag:s12] =	ssyncset.done $0x0  }
0x1d: {  	[sflag:s12] =	ssyncadd.s32 $0xFFFFD880  }
0x1e: {  	[bflag:$0x0] =	sbarrier.arrive $0xFFFF  }
0x1f: {  	[tilespmem:s15], [sflag:$0x1] =	stream.indirect.gather [hbm4b:s4+s14], $0x80, s3, s14, $0xb8;
	[tilespmem:$0x1DB00] =	vst v63  }
0x20: {  	s21 =	simm.s32 $0x50  }
0x21: {  	[tilespmem:s16], [sflag:$0x2] =	stream.indirect.gather [hbm4b:s4+s14], $0x80, s21, s14, $0xb8;
	[tilespmem:$0x1DB00] =	vst v63  }
0x22: {  	_ =	swait.ge [sflag:s17], $0x2800  }
0x23: {  	[sflag:s17] =	ssyncset.done $0x0  }
0x24: {  	s29 =	simm.s32 $0x2780;
	[sflag:s17] =	ssyncadd.s32 $0xFFFFD800  }
0x25: {  	[spmem:s2] =	stream.indirect.scatter.add.f32 [tilespmem:s15], [sflag:$0x3], $0x80, s29, s14, $0xb8;
	[tilespmem:$0x1DB00] =	vst v63  }
0x26: {  	_ =	swait.ge [sflag:s12], $0x2800  }
0x27: {  	[sflag:s12] =	ssyncset.done $0x0  }
0x28: {  	s30 =	simm.s32 $0xA0;
	[sflag:s12] =	ssyncadd.s32 $0xFFFFD800  }
0x29: {  	[tilespmem:s15], [sflag:$0x1] =	stream.indirect.gather [hbm4b:s4+s14], $0x80, s30, s14, $0xb8;
	[tilespmem:$0x1DB00] =	vst v63  }
0x2a: {  	_ =	swait.ge [sflag:s18], $0x2800  }
0x2b: {  	[sflag:s18] =	ssyncset.done $0x0  }
0x2c: {  	s31 =	simm.s32 $0x27D0;
	[sflag:s18] =	ssyncadd.s32 $0xFFFFD800  }
0x2d: {  	[spmem:s2] =	stream.indirect.scatter.add.f32 [tilespmem:s16], [sflag:$0x3], $0x80, s31, s14, $0xb8;
	[tilespmem:$0x1DB00] =	vst v63  }
0x2e: {  	_ =	swait.ge [sflag:s12], $0x2800  }
0x2f: {  	s22 =	simm.s32 $0x500;
	s21 =	simm.s32 $0xA0;
	[sflag:s12] =	ssyncset.done $0x0  }
.LBB2_2:
0x30: {  	s23 =	sadd.s32 $0x50, s21  }
0x31: {  	[sflag:s12] =	ssyncadd.s32 $0xFFFFD800;
	s24 =	smov.u32 s22;
	s25 =	sadd.s32 $0x280, s22  }
0x32: {  	[tilespmem:s16], [sflag:$0x2] =	stream.indirect.gather [hbm4b:s4+s14], $0x80, s23, s14, $0xb8;
	[tilespmem:$0x1DB00] =	vst v63  }
0x33: {  	p0 =	sne.s32 s22, $0x9880;
	_ =	swait.ge [sflag:s17], $0x2800  }
0x34: {  	[sflag:s17] =	ssyncset.done $0x0  }
0x35: {  	s22 =	sadd.s32 $0x2780, s21;
	[sflag:s17] =	ssyncadd.s32 $0xFFFFD800  }
0x36: {  	[spmem:s2] =	stream.indirect.scatter.add.f32 [tilespmem:s15], [sflag:$0x3], $0x80, s22, s14, $0xb8;
	[tilespmem:$0x1DB00] =	vst v63  }
0x37: {  	_ =	swait.ge [sflag:s12], $0x2800  }
0x38: {  	[sflag:s12] =	ssyncset.done $0x0  }
0x39: {  	s22 =	sadd.s32 $0xA0, s21;
	[sflag:s12] =	ssyncadd.s32 $0xFFFFD800  }
0x3a: {  	[tilespmem:s15], [sflag:$0x1] =	stream.indirect.gather [hbm4b:s4+s14], $0x80, s22, s14, $0xb8;
	[tilespmem:$0x1DB00] =	vst v63  }
0x3b: {  	_ =	swait.ge [sflag:s18], $0x2800  }
.Ltmp0:
0x3c: {  	[sflag:s18] =	ssyncset.done $0x0;
	(pc) =	sbr.rel @p0 .LBB2_2-.Ltmp0, $4  }
0x3d: {  	s21 =	sadd.s32 $0x27D0, s21;
	[sflag:s18] =	ssyncadd.s32 $0xFFFFD800  }
0x3e: {  	[spmem:s2] =	stream.indirect.scatter.add.f32 [tilespmem:s16], [sflag:$0x3], $0x80, s21, s14, $0xb8;
	[tilespmem:$0x1DB00] =	vst v63  }
0x3f: {  	_ =	swait.ge [sflag:s12], $0x2800  }
0x40: {  	s22 =	smov.u32 s25;
	s21 =	sshra.s32 s24, $0x2;
	[sflag:s12] =	ssyncset.done $0x0  }
0x41: {  	s22 =	sadd.s32 $0x50, s21;
	[sflag:s12] =	ssyncadd.s32 $0xFFFFD800  }
0x42: {  	[tilespmem:s16], [sflag:$0x2] =	stream.indirect.gather [hbm4b:s4+s14], $0x80, s22, s14, $0xb8;
	[tilespmem:$0x1DB00] =	vst v63  }
0x43: {  	_ =	swait.ge [sflag:s17], $0x2800  }
0x44: {  	[sflag:s17] =	ssyncset.done $0x0  }
0x45: {  	s29 =	sadd.s32 $0x2780, s21;
	[sflag:s17] =	ssyncadd.s32 $0xFFFFD800  }
0x46: {  	[spmem:s2] =	stream.indirect.scatter.add.f32 [tilespmem:s15], [sflag:$0x3], $0x80, s29, s14, $0xb8;
	[tilespmem:$0x1DB00] =	vst v63  }
0x47: {  	_ =	swait.ge [sflag:s12], $0x2800  }
0x48: {  	[sflag:s12] =	ssyncset.done $0x0  }
0x49: {  	s30 =	sadd.s32 $0xA0, s21;
	[sflag:s12] =	ssyncadd.s32 $0xFFFFD800  }
0x4a: {  	[tilespmem:s15], [sflag:$0x1] =	stream.indirect.gather [hbm4b:s4+s14], $0x80, s30, s14, $0xb8;
	[tilespmem:$0x1DB00] =	vst v63  }
0x4b: {  	_ =	swait.ge [sflag:s18], $0x2800  }
0x4c: {  	[sflag:s18] =	ssyncset.done $0x0  }
0x4d: {  	s31 =	sadd.s32 $0x27D0, s21;
	[sflag:s18] =	ssyncadd.s32 $0xFFFFD800  }
0x4e: {  	[spmem:s2] =	stream.indirect.scatter.add.f32 [tilespmem:s16], [sflag:$0x3], $0x80, s31, s14, $0xb8;
	[tilespmem:$0x1DB00] =	vst v63  }
0x4f: {  	_ =	swait.ge [sflag:s12], $0x2800  }
0x50: {  	[sflag:s12] =	ssyncset.done $0x0  }
0x51: {  	[sflag:s12] =	ssyncadd.s32 $0xFFFFD800  }
0x52: {  	_ =	swait.ge [sflag:s17], $0x2800  }
0x53: {  	[sflag:s17] =	ssyncset.done $0x0  }
0x54: {  	[sflag:s17] =	ssyncadd.s32 $0xFFFFD800  }
0x55: {  	[spmem:s2] =	stream.indirect.scatter.add.f32 [tilespmem:s15], [sflag:$0x3], $0x80, s19, s14, $0xb8;
	[tilespmem:$0x1DB00] =	vst v63  }
0x56: {  	_ =	swait.ge [sflag:s12], $0x2800  }
0x57: {  	s20 =	sadd.s32 $0x1, s20;
	[sflag:s12] =	ssyncset.done $0x0  }
0x58: {  	p0 =	sne.s32 s20, s10;
	[sflag:s12] =	ssyncadd.s32 $0xFFFFD800  }
.Ltmp1:
0x59: {  	[bflag:$0x0] =	sbarrier.arrive $0xFFFF;
	(pc) =	sbr.rel @p0 .LBB2_1-.Ltmp1, $4  }
0x5a: {  	[hbm:s9], [sflag:s6] =	dma.local [spmem:s11], $0x2780  }
0x5b: {  	_ =	swait.ge [sflag:s12], $0x2780  }
0x5c: {  	[sflag:s12] =	ssyncset.done $0x0  }
0x5d: {  	[sflag:s12] =	ssyncadd.s32 $0xFFFFD880  }
0x5e: {  	_ =	sfence.sel $0x180000  }
0x5f: {  	[bflag:$0x0] =	sbarrier.arrive $0xFFFF  }
0x60: {  	p0 =	sne.s32 s1, $0x0;
	_ =	strace $0x9000004A  }
0x61: {  	s0 =	sadd.s32 @!p0 $0x100000, s0;
	[bflag:$0x2] =	sbarrier.arrive $0xFFFF  }
0x62: {  	[sflag:s0] =	ssyncadd.tile.s32 @!p0 $0x1;
	_ =	shalt  }
.Lfunc_end2:
_tile_overlayer_lowered:
.L_overlay_start_2:
0x63: {  	(tag) =	ssettag $0x2  }
0x64: {  	s0 =	rddreg [dreg:$0x0];
	s2 =	stileid.u32  }
0x65: {  	s1 =	rddreg [dreg:$0x1];
	p0 =	sne.s32 s2, $0x0  }
0x66: {  	s3 =	rddreg [dreg:$0x2];
	[bflag:$0x3] =	sbarrier.arrive $0xFFFF;
	s2 =	simm.s32 @!p0 $0x1C03  }
0x67: {  	[timem:s3], [sflag:s2] =	dma.local @!p0 [hbm:s0], s1  }
0x68: {  	s0 =	simm.s32 @!p0 $0x3  }
0x69: {  	_ =	swait.ge @!p0 [sflag:s0], s1  }
0x6a: {  	s1 =	ssub.s32 @!p0 $0x0, s1;
	[sflag:s0] =	ssyncset.done @!p0 $0x0  }
0x6b: {  	[sflag:s0] =	ssyncadd.s32 @!p0 s1  }
0x6c: {  	[bflag:$0x3] =	sbarrier.arrive $0xFFFF  }
0x6d: {  	_ =	shalt  }

</sc_bundles>
